<compile_context>
chip_gen: v7x
topology: tpu7x:2x2x1
jax: 0.10.2.dev20260603
libtpu: 0.0.44.dev20260713+nightly
codegen_flags: <defaults>
</compile_context>

<pallas_src>
import functools

import jax
import jax.numpy as jnp
from jax import lax
from jax.experimental import pallas as pl
from jax.experimental.pallas import tpu as pltpu
from jax.experimental.pallas import tpu_sc as plsc

S = 2048
D = 1024
E = 64
CHUNK = 128
P2 = S + 8 * E
XROWS = P2 + CHUNK
RB = 256
EPG = 2


def _rank_kernel(u_col_ref, u_row_ref, sp_ref):
    u_r = u_row_ref[...]
    u_c = u_col_ref[...]
    er = lax.broadcasted_iota(jnp.int32, (1, E), 1)
    ec = lax.broadcasted_iota(jnp.int32, (E, 1), 0)

    hist = jnp.sum((u_c == er).astype(jnp.int32), axis=0, keepdims=True)
    padded = ((hist + 7) // 8) * 8
    k64 = lax.broadcasted_iota(jnp.int32, (E, E), 1)
    e64 = lax.broadcasted_iota(jnp.int32, (E, E), 0)
    offc = jnp.sum(jnp.where(k64 < e64, padded, 0), axis=1, keepdims=True)

    aoff = jnp.sum(jnp.where(ec == u_r, offc, 0), axis=0, keepdims=True)
    rank = jnp.zeros((1, S), jnp.int32)
    for kb in range(S // RB):
        u_cb = u_col_ref[pl.ds(kb * RB, RB), :]
        k_idx = kb * RB + lax.broadcasted_iota(jnp.int32, (RB, S), 0)
        j_idx = lax.broadcasted_iota(jnp.int32, (RB, S), 1)
        m = (u_cb == u_r) & (k_idx < j_idx)
        rank = rank + jnp.sum(m.astype(jnp.int32), axis=0, keepdims=True)
    sp_ref[...] = aoff + rank


def _expert_kernel(u_ref, xs_ref, b_ref, w_ref, out_ref):
    i = pl.program_id(0)
    u = u_ref[...]
    b_full = b_ref[...]
    ec = lax.broadcasted_iota(jnp.int32, (E, 1), 0)
    hist = jnp.sum((ec == u).astype(jnp.int32), axis=1, keepdims=True)
    padded = ((hist + 7) // 8) * 8

    for t in range(EPG):
        e = i * EPG + t
        off = jnp.sum(jnp.where(ec < e, padded, 0))
        off = pl.multiple_of(off, 8)
        cnt = jnp.sum((u == e).astype(jnp.int32))
        nch = (cnt + (CHUNK - 1)) // CHUNK
        b = jnp.sum(jnp.where(ec == e, b_full, 0.0), axis=0, keepdims=True)

        def body(c, carry):
            s = off + c * CHUNK
            xa = xs_ref[pl.ds(s, CHUNK), :]
            acc = jnp.dot(xa, w_ref[t], preferred_element_type=jnp.float32)
            out_ref[pl.ds(s, CHUNK), :] = jnp.tanh(acc + b)
            return carry

        lax.fori_loop(0, nch, body, 0)


def _sc_scatter_rows(x, sp, n_out):
    n, d = x.shape
    mesh = plsc.VectorSubcoreMesh(core_axis_name="c", subcore_axis_name="s")
    nw = mesh.num_cores * mesh.num_subcores
    per = n // nw

    @functools.partial(
        pl.kernel,
        out_type=jax.ShapeDtypeStruct((n_out, d), jnp.float32),
        mesh=mesh,
        scratch_types=[
            pltpu.VMEM((per,), jnp.int32),
            pltpu.VMEM((per, d), jnp.float32),
            pltpu.SemaphoreType.DMA,
        ],
    )
    def sk(x_hbm, sp_hbm, out_hbm, idx_v, rows_v, sem):
        wid = lax.axis_index("s") * mesh.num_cores + lax.axis_index("c")
        base = wid * per
        pltpu.sync_copy(sp_hbm.at[pl.ds(base, per)], idx_v)
        pltpu.sync_copy(x_hbm.at[pl.ds(base, per)], rows_v)
        pltpu.async_copy(rows_v, out_hbm.at[idx_v], sem).wait()

    return sk(x, sp)


def _sc_row_gather(table, idx, n_out):
    n_idx = idx.shape[0]
    d = table.shape[1]
    mesh = plsc.VectorSubcoreMesh(core_axis_name="c", subcore_axis_name="s")
    nw = mesh.num_cores * mesh.num_subcores
    per = n_idx // nw

    @functools.partial(
        pl.kernel,
        out_type=jax.ShapeDtypeStruct((n_out, d), jnp.float32),
        mesh=mesh,
        scratch_types=[
            pltpu.VMEM((per,), jnp.int32),
            pltpu.VMEM((per, d), jnp.float32),
            pltpu.SemaphoreType.DMA,
        ],
    )
    def gk(table_hbm, idx_hbm, out_hbm, idx_v, rows_v, sem):
        wid = lax.axis_index("s") * mesh.num_cores + lax.axis_index("c")
        base = wid * per
        pltpu.sync_copy(idx_hbm.at[pl.ds(base, per)], idx_v)
        pltpu.async_copy(table_hbm.at[idx_v], rows_v, sem).wait()
        pltpu.sync_copy(rows_v, out_hbm.at[pl.ds(base, per)])

    return gk(table, idx)


def kernel(input, urls, trans, bias):
    x = input.reshape(S, D)
    u = urls.reshape(S).astype(jnp.int32)

    sp_row = pl.pallas_call(
        _rank_kernel,
        out_shape=jax.ShapeDtypeStruct((1, S), jnp.int32),
    )(u.reshape(S, 1), u.reshape(1, S))
    sp = sp_row.reshape(S)

    xs = _sc_scatter_rows(x, sp, XROWS)

    out_sorted = pl.pallas_call(
        _expert_kernel,
        grid=(E // EPG,),
        in_specs=[
            pl.BlockSpec((1, S), lambda i: (0, 0)),
            pl.BlockSpec((XROWS, D), lambda i: (0, 0)),
            pl.BlockSpec((E, D), lambda i: (0, 0)),
            pl.BlockSpec((EPG, D, D), lambda i: (i, 0, 0)),
        ],
        out_specs=pl.BlockSpec((XROWS, D), lambda i: (0, 0)),
        out_shape=jax.ShapeDtypeStruct((XROWS, D), jnp.float32),
    )(u.reshape(1, S), xs, bias, trans)

    out = _sc_row_gather(out_sorted, sp, S)
    return out.reshape(input.shape)

# --- scband reference (transcript-rebuilt; emitter-appended) ---
"""Pipeline reference for scband-source-bias-seq-49469433315597 (READ-ONLY COPY).

The authoritative reference and input builder live on the scoring server;
editing this copy changes nothing except your own understanding.
"""

import jax, jax.numpy as jnp
import numpy as np

NO_URLS = 64
SEN_EMB_SIZE = 512
D = SEN_EMB_SIZE * 2  # 1024
B, S = 1, 2048


def setup_inputs(seed: int = 0) -> dict:
    key = jax.random.key(seed)
    k1, k2, k3, k4 = jax.random.split(key, 4)
    inp = jax.random.normal(k1, (B, S, D), dtype=jnp.float32)
    urls = jax.random.randint(k2, (B, S), 0, NO_URLS, dtype=jnp.int64 if jax.config.jax_enable_x64 else jnp.int32)
    # learned params: per-url transform and bias, init uniform(-1, 1) like random_()
    trans = jax.random.uniform(k3, (NO_URLS, D, D), dtype=jnp.float32, minval=-1.0, maxval=1.0)
    bias = jax.random.uniform(k4, (NO_URLS, D), dtype=jnp.float32, minval=-1.0, maxval=1.0)
    return {"input": inp, "urls": urls, "trans": trans, "bias": bias}


def reference(input, urls, trans, bias):
    # Faithful translation of SourceBiasSeq.forward:
    # per token: sen @ trans[url] + bias[url], then tanh, reshape back.
    d = input.shape[2]
    sentences = input.reshape(-1, d)
    flat_urls = urls.reshape(-1)

    def step(args):
        sen, url = args
        W = trans[url]          # gather [d, d] expert matrix (SparseCore gather)
        b = bias[url]           # gather [d] expert bias
        return jnp.matmul(sen, W) + b

    # lax.map mirrors the sequential per-sentence loop without materializing
    # the full [N, d, d] gathered tensor.
    output = jax.lax.map(step, (sentences, flat_urls))
    return jnp.tanh(output).reshape(input.shape)

if __name__ == "__main__":
    import jax
    _d = setup_inputs()
    print(jax.jit(kernel)(*tuple(_d.values())))

</pallas_src>

<mosaic_0001>
#map = affine_map<(d0, d1) -> (0, 0)>
#map1 = affine_map<(d0, d1) -> (0)>
module attributes {stable_mosaic.version = 14 : i64} {
  func.func @gk(%arg0: i32, %arg1: i32, %arg2: memref<2688x1024xf32, #tpu.memory_space<hbm>>, %arg3: memref<2048xi32, #tpu.memory_space<hbm>>, %arg4: memref<2048x1024xf32, #tpu.memory_space<hbm>>, %arg5: memref<64xi32, #tpu.memory_space<vmem>>, %arg6: memref<64x1024xf32, #tpu.memory_space<vmem>>, %arg7: memref<!tpu.dma_semaphore, #tpu.memory_space<semaphore_mem>>) attributes {dimension_semantics = [#tpu.dimension_semantics<core_parallel>, #tpu.dimension_semantics<subcore_parallel>], iteration_bounds = array<i64: 2, 16>, scalar_prefetch = 0 : i64, scratch_operands = 3 : i64, tpu.core_type = #tpu.core_type<sc_vector_subcore>, window_params = [{transform_indices = #map}, {transform_indices = #map1}, {transform_indices = #map}]} {
    %mul3A = arith.constant 2 : i32
    %mul3A_0 = arith.muli %arg1, %mul3A : i32
    %add3A = arith.addi %mul3A_0, %arg0 : i32
    %mul3A_1 = arith.constant 64 : i32
    %mul3A_2 = arith.muli %add3A, %mul3A_1 : i32
    "tpu.region"() ({
      %run_scoped3A = tpu.sem_alloc : memref<!tpu.dma_semaphore, #tpu.memory_space<semaphore_mem>>
      %dma_start3A_7 = tpu.memref_slice %arg3[%mul3A_2] : memref<2048xi32, #tpu.memory_space<hbm>> -> memref<64xi32, #tpu.memory_space<hbm>>
      %dma_start3A_8 = tpu.memref_slice %arg3[%mul3A_2] : memref<2048xi32, #tpu.memory_space<hbm>> -> memref<64xi32, #tpu.memory_space<hbm>>
      tpu.enqueue_dma source(%dma_start3A_8 : memref<64xi32, #tpu.memory_space<hbm>>) target(%arg5 : memref<64xi32, #tpu.memory_space<vmem>>) target_semaphore(%run_scoped3A : memref<!tpu.dma_semaphore, #tpu.memory_space<semaphore_mem>>)
      %dma_wait3A_9 = tpu.memref_slice %arg3[%mul3A_2] : memref<2048xi32, #tpu.memory_space<hbm>> -> memref<64xi32, #tpu.memory_space<hbm>>
      %dma_wait3A_10 = tpu.memref_slice %arg3[%mul3A_2] : memref<2048xi32, #tpu.memory_space<hbm>> -> memref<64xi32, #tpu.memory_space<hbm>>
      tpu.wait_dma2 semaphore(%run_scoped3A : memref<!tpu.dma_semaphore, #tpu.memory_space<semaphore_mem>>) src(%dma_wait3A_10 : memref<64xi32, #tpu.memory_space<hbm>>) dst(%arg5 : memref<64xi32, #tpu.memory_space<vmem>>)
      tpu.yield
    }) : () -> ()
    %dma_start3A = arith.constant 0 : i32
    %dma_start3A_3 = arith.constant 0 : i32
    %dma_start3A_4 = tpu.memref_slice %arg2[%dma_start3A, %dma_start3A_3] : memref<2688x1024xf32, #tpu.memory_space<hbm>> -> memref<2688x1024xf32, #tpu.memory_space<hbm>>
    tpu.enqueue_indirect_dma source(%dma_start3A_4 : memref<2688x1024xf32, #tpu.memory_space<hbm>>) target(%arg6 : memref<64x1024xf32, #tpu.memory_space<vmem>>) offsets(%arg5 : memref<64xi32, #tpu.memory_space<vmem>>) semaphore(%arg7 : memref<!tpu.dma_semaphore, #tpu.memory_space<semaphore_mem>>)
    %dma_wait3A = arith.constant 0 : i32
    %dma_wait3A_5 = arith.constant 0 : i32
    %dma_wait3A_6 = tpu.memref_slice %arg2[%dma_wait3A, %dma_wait3A_5] : memref<2688x1024xf32, #tpu.memory_space<hbm>> -> memref<2688x1024xf32, #tpu.memory_space<hbm>>
    tpu.wait_indirect_dma semaphore(%arg7 : memref<!tpu.dma_semaphore, #tpu.memory_space<semaphore_mem>>) src(%dma_wait3A_6 : memref<2688x1024xf32, #tpu.memory_space<hbm>>) dst(%arg6 : memref<64x1024xf32, #tpu.memory_space<vmem>>)
    "tpu.region"() ({
      %run_scoped3A = tpu.sem_alloc : memref<!tpu.dma_semaphore, #tpu.memory_space<semaphore_mem>>
      %dma_start3A_7 = arith.constant 0 : i32
      %dma_start3A_8 = tpu.memref_slice %arg4[%mul3A_2, %dma_start3A_7] : memref<2048x1024xf32, #tpu.memory_space<hbm>> -> memref<64x1024xf32, #tpu.memory_space<hbm>>
      %dma_start3A_9 = arith.constant 0 : i32
      %dma_start3A_10 = tpu.memref_slice %arg4[%mul3A_2, %dma_start3A_9] : memref<2048x1024xf32, #tpu.memory_space<hbm>> -> memref<64x1024xf32, #tpu.memory_space<hbm>>
      tpu.enqueue_dma source(%arg6 : memref<64x1024xf32, #tpu.memory_space<vmem>>) target(%dma_start3A_10 : memref<64x1024xf32, #tpu.memory_space<hbm>>) target_semaphore(%run_scoped3A : memref<!tpu.dma_semaphore, #tpu.memory_space<semaphore_mem>>)
      %dma_wait3A_11 = arith.constant 0 : i32
      %dma_wait3A_12 = tpu.memref_slice %arg4[%mul3A_2, %dma_wait3A_11] : memref<2048x1024xf32, #tpu.memory_space<hbm>> -> memref<64x1024xf32, #tpu.memory_space<hbm>>
      %dma_wait3A_13 = arith.constant 0 : i32
      %dma_wait3A_14 = tpu.memref_slice %arg4[%mul3A_2, %dma_wait3A_13] : memref<2048x1024xf32, #tpu.memory_space<hbm>> -> memref<64x1024xf32, #tpu.memory_space<hbm>>
      tpu.wait_dma2 semaphore(%run_scoped3A : memref<!tpu.dma_semaphore, #tpu.memory_space<semaphore_mem>>) src(%arg6 : memref<64x1024xf32, #tpu.memory_space<vmem>>) dst(%dma_wait3A_14 : memref<64x1024xf32, #tpu.memory_space<hbm>>)
      tpu.yield
    }) : () -> ()
    return
  }
}

#map = affine_map<(d0, d1) -> (0, 0)>
#map1 = affine_map<(d0, d1) -> (0)>
module attributes {stable_mosaic.version = 14 : i64} {
  func.func @sk(%arg0: i32, %arg1: i32, %arg2: memref<2048x1024xf32, #tpu.memory_space<hbm>>, %arg3: memref<2048xi32, #tpu.memory_space<hbm>>, %arg4: memref<2688x1024xf32, #tpu.memory_space<hbm>>, %arg5: memref<64xi32, #tpu.memory_space<vmem>>, %arg6: memref<64x1024xf32, #tpu.memory_space<vmem>>, %arg7: memref<!tpu.dma_semaphore, #tpu.memory_space<semaphore_mem>>) attributes {dimension_semantics = [#tpu.dimension_semantics<core_parallel>, #tpu.dimension_semantics<subcore_parallel>], iteration_bounds = array<i64: 2, 16>, scalar_prefetch = 0 : i64, scratch_operands = 3 : i64, tpu.core_type = #tpu.core_type<sc_vector_subcore>, window_params = [{transform_indices = #map}, {transform_indices = #map1}, {transform_indices = #map}]} {
    %mul3A = arith.constant 2 : i32
    %mul3A_0 = arith.muli %arg1, %mul3A : i32
    %add3A = arith.addi %mul3A_0, %arg0 : i32
    %mul3A_1 = arith.constant 64 : i32
    %mul3A_2 = arith.muli %add3A, %mul3A_1 : i32
    "tpu.region"() ({
      %run_scoped3A = tpu.sem_alloc : memref<!tpu.dma_semaphore, #tpu.memory_space<semaphore_mem>>
      %dma_start3A_7 = tpu.memref_slice %arg3[%mul3A_2] : memref<2048xi32, #tpu.memory_space<hbm>> -> memref<64xi32, #tpu.memory_space<hbm>>
      %dma_start3A_8 = tpu.memref_slice %arg3[%mul3A_2] : memref<2048xi32, #tpu.memory_space<hbm>> -> memref<64xi32, #tpu.memory_space<hbm>>
      tpu.enqueue_dma source(%dma_start3A_8 : memref<64xi32, #tpu.memory_space<hbm>>) target(%arg5 : memref<64xi32, #tpu.memory_space<vmem>>) target_semaphore(%run_scoped3A : memref<!tpu.dma_semaphore, #tpu.memory_space<semaphore_mem>>)
      %dma_wait3A_9 = tpu.memref_slice %arg3[%mul3A_2] : memref<2048xi32, #tpu.memory_space<hbm>> -> memref<64xi32, #tpu.memory_space<hbm>>
      %dma_wait3A_10 = tpu.memref_slice %arg3[%mul3A_2] : memref<2048xi32, #tpu.memory_space<hbm>> -> memref<64xi32, #tpu.memory_space<hbm>>
      tpu.wait_dma2 semaphore(%run_scoped3A : memref<!tpu.dma_semaphore, #tpu.memory_space<semaphore_mem>>) src(%dma_wait3A_10 : memref<64xi32, #tpu.memory_space<hbm>>) dst(%arg5 : memref<64xi32, #tpu.memory_space<vmem>>)
      tpu.yield
    }) : () -> ()
    "tpu.region"() ({
      %run_scoped3A = tpu.sem_alloc : memref<!tpu.dma_semaphore, #tpu.memory_space<semaphore_mem>>
      %dma_start3A_7 = arith.constant 0 : i32
      %dma_start3A_8 = tpu.memref_slice %arg2[%mul3A_2, %dma_start3A_7] : memref<2048x1024xf32, #tpu.memory_space<hbm>> -> memref<64x1024xf32, #tpu.memory_space<hbm>>
      %dma_start3A_9 = arith.constant 0 : i32
      %dma_start3A_10 = tpu.memref_slice %arg2[%mul3A_2, %dma_start3A_9] : memref<2048x1024xf32, #tpu.memory_space<hbm>> -> memref<64x1024xf32, #tpu.memory_space<hbm>>
      tpu.enqueue_dma source(%dma_start3A_10 : memref<64x1024xf32, #tpu.memory_space<hbm>>) target(%arg6 : memref<64x1024xf32, #tpu.memory_space<vmem>>) target_semaphore(%run_scoped3A : memref<!tpu.dma_semaphore, #tpu.memory_space<semaphore_mem>>)
      %dma_wait3A_11 = arith.constant 0 : i32
      %dma_wait3A_12 = tpu.memref_slice %arg2[%mul3A_2, %dma_wait3A_11] : memref<2048x1024xf32, #tpu.memory_space<hbm>> -> memref<64x1024xf32, #tpu.memory_space<hbm>>
      %dma_wait3A_13 = arith.constant 0 : i32
      %dma_wait3A_14 = tpu.memref_slice %arg2[%mul3A_2, %dma_wait3A_13] : memref<2048x1024xf32, #tpu.memory_space<hbm>> -> memref<64x1024xf32, #tpu.memory_space<hbm>>
      tpu.wait_dma2 semaphore(%run_scoped3A : memref<!tpu.dma_semaphore, #tpu.memory_space<semaphore_mem>>) src(%dma_wait3A_14 : memref<64x1024xf32, #tpu.memory_space<hbm>>) dst(%arg6 : memref<64x1024xf32, #tpu.memory_space<vmem>>)
      tpu.yield
    }) : () -> ()
    %dma_start3A = arith.constant 0 : i32
    %dma_start3A_3 = arith.constant 0 : i32
    %dma_start3A_4 = tpu.memref_slice %arg4[%dma_start3A, %dma_start3A_3] : memref<2688x1024xf32, #tpu.memory_space<hbm>> -> memref<2688x1024xf32, #tpu.memory_space<hbm>>
    tpu.enqueue_indirect_dma source(%arg6 : memref<64x1024xf32, #tpu.memory_space<vmem>>) target(%dma_start3A_4 : memref<2688x1024xf32, #tpu.memory_space<hbm>>) offsets(%arg5 : memref<64xi32, #tpu.memory_space<vmem>>) semaphore(%arg7 : memref<!tpu.dma_semaphore, #tpu.memory_space<semaphore_mem>>)
    %dma_wait3A = arith.constant 0 : i32
    %dma_wait3A_5 = arith.constant 0 : i32
    %dma_wait3A_6 = tpu.memref_slice %arg4[%dma_wait3A, %dma_wait3A_5] : memref<2688x1024xf32, #tpu.memory_space<hbm>> -> memref<2688x1024xf32, #tpu.memory_space<hbm>>
    tpu.wait_indirect_dma semaphore(%arg7 : memref<!tpu.dma_semaphore, #tpu.memory_space<semaphore_mem>>) src(%arg6 : memref<64x1024xf32, #tpu.memory_space<vmem>>) dst(%dma_wait3A_6 : memref<2688x1024xf32, #tpu.memory_space<hbm>>)
    return
  }
}

module attributes {stable_mosaic.version = 14 : i64} {
  func.func @_rank_kernel(%arg0: memref<2048x1xi32, #tpu.memory_space<vmem>>, %arg1: memref<1x2048xi32, #tpu.memory_space<vmem>>, %arg2: memref<1x2048xi32, #tpu.memory_space<vmem>>) attributes {dimension_semantics = [], scalar_prefetch = 0 : i64, scratch_operands = 0 : i64, tpu.core_type = #tpu.core_type<tc>} {
    %get3A = arith.constant 0 : index
    %get3A_0 = arith.constant 0 : index
    %get3A_1 = vector.load %arg1[%get3A, %get3A_0] : memref<1x2048xi32, #tpu.memory_space<vmem>>, vector<1x2048xi32>
    %get3A_2 = arith.constant 0 : index
    %get3A_3 = arith.constant 0 : index
    %get3A_4 = vector.load %arg0[%get3A_2, %get3A_3] : memref<2048x1xi32, #tpu.memory_space<vmem>>, vector<2048x1xi32>
    %iota3A = tpu.iota {dimensions = array<i32: 1>} : vector<1x64xi32>
    %iota3A_5 = tpu.iota {dimensions = array<i32: 0>} : vector<64x1xi32>
    %eq3A = vector.broadcast %get3A_4 : vector<2048x1xi32> to vector<2048x64xi32>
    %eq3A_6 = vector.broadcast %iota3A : vector<1x64xi32> to vector<2048x64xi32>
    %eq3A_7 = arith.cmpi eq, %eq3A, %eq3A_6 : vector<2048x64xi32>
    %convert_element_type3A = arith.extui %eq3A_7 : vector<2048x64xi1> to vector<2048x64xi32>
    %reduce_sum3A = arith.constant dense<0> : vector<64xi32>
    %reduce_sum3A_8 = vector.multi_reduction <add>, %convert_element_type3A, %reduce_sum3A [0] : vector<2048x64xi32> to vector<64xi32>
    %broadcast_in_dim3A = vector.shape_cast %reduce_sum3A_8 : vector<64xi32> to vector<1x64xi32>
    %add3A = arith.constant 7 : i32
    %add3A_9 = vector.broadcast %add3A : i32 to vector<1x64xi32>
    %add3A_10 = arith.addi %broadcast_in_dim3A, %add3A_9 : vector<1x64xi32>
    %jit3A = arith.constant 8 : i32
    %div3A = vector.broadcast %jit3A : i32 to vector<1x64xi32>
    %div3A_11 = arith.divsi %add3A_10, %div3A : vector<1x64xi32>
    %sign3A = arith.constant 0 : i32
    %sign3A_12 = vector.broadcast %sign3A : i32 to vector<1x64xi32>
    %sign3A_13 = arith.cmpi sgt, %add3A_10, %sign3A_12 : vector<1x64xi32>
    %sign3A_14 = arith.extui %sign3A_13 : vector<1x64xi1> to vector<1x64xi32>
    %sign3A_15 = arith.constant 0 : i32
    %sign3A_16 = vector.broadcast %sign3A_15 : i32 to vector<1x64xi32>
    %sign3A_17 = arith.cmpi slt, %add3A_10, %sign3A_16 : vector<1x64xi32>
    %sign3A_18 = arith.extui %sign3A_17 : vector<1x64xi1> to vector<1x64xi32>
    %sign3A_19 = arith.subi %sign3A_14, %sign3A_18 : vector<1x64xi32>
    %sign3A_20 = arith.constant 0 : i32
    %sign3A_21 = arith.cmpi sgt, %jit3A, %sign3A_20 : i32
    %sign3A_22 = arith.extui %sign3A_21 : i1 to i32
    %sign3A_23 = arith.constant 0 : i32
    %sign3A_24 = arith.cmpi slt, %jit3A, %sign3A_23 : i32
    %sign3A_25 = arith.extui %sign3A_24 : i1 to i32
    %sign3A_26 = arith.subi %sign3A_22, %sign3A_25 : i32
    %ne3A = vector.broadcast %sign3A_26 : i32 to vector<1x64xi32>
    %ne3A_27 = arith.cmpi ne, %sign3A_19, %ne3A : vector<1x64xi32>
    %rem3A = vector.broadcast %jit3A : i32 to vector<1x64xi32>
    %rem3A_28 = arith.remsi %add3A_10, %rem3A : vector<1x64xi32>
    %ne3A_29 = arith.constant 0 : i32
    %ne3A_30 = vector.broadcast %ne3A_29 : i32 to vector<1x64xi32>
    %ne3A_31 = arith.cmpi ne, %rem3A_28, %ne3A_30 : vector<1x64xi32>
    %and3A = arith.andi %ne3A_27, %ne3A_31 : vector<1x64xi1>
    %sub3A = arith.constant 1 : i32
    %sub3A_32 = vector.broadcast %sub3A : i32 to vector<1x64xi32>
    %sub3A_33 = arith.subi %div3A_11, %sub3A_32 : vector<1x64xi32>
    %select_n3A = arith.select %and3A, %sub3A_33, %div3A_11 : vector<1x64xi1>, vector<1x64xi32>
    %mul3A = arith.constant 8 : i32
    %mul3A_34 = vector.broadcast %mul3A : i32 to vector<1x64xi32>
    %mul3A_35 = arith.muli %select_n3A, %mul3A_34 : vector<1x64xi32>
    %iota3A_36 = tpu.iota {dimensions = array<i32: 1>} : vector<64x64xi32>
    %iota3A_37 = tpu.iota {dimensions = array<i32: 0>} : vector<64x64xi32>
    %lt3A = arith.cmpi slt, %iota3A_36, %iota3A_37 : vector<64x64xi32>
    %jit3A_38 = arith.constant 0 : i32
    %broadcast_in_dim3A_39 = vector.shape_cast %mul3A_35 : vector<1x64xi32> to vector<1x64xi32>
    %broadcast_in_dim3A_40 = vector.broadcast %broadcast_in_dim3A_39 : vector<1x64xi32> to vector<64x64xi32>
    %broadcast_in_dim3A_41 = vector.broadcast %jit3A_38 : i32 to vector<64x64xi32>
    %select_n3A_42 = arith.select %lt3A, %broadcast_in_dim3A_40, %broadcast_in_dim3A_41 : vector<64x64xi1>, vector<64x64xi32>
    %reduce_sum3A_43 = arith.constant dense<0> : vector<64xi32>
    %reduce_sum3A_44 = vector.multi_reduction <add>, %select_n3A_42, %reduce_sum3A_43 [1] : vector<64x64xi32> to vector<64xi32>
    %broadcast_in_dim3A_45 = vector.shape_cast %reduce_sum3A_44 : vector<64xi32> to vector<64x1xi32>
    %eq3A_46 = vector.broadcast %iota3A_5 : vector<64x1xi32> to vector<64x2048xi32>
    %eq3A_47 = vector.broadcast %get3A_1 : vector<1x2048xi32> to vector<64x2048xi32>
    %eq3A_48 = arith.cmpi eq, %eq3A_46, %eq3A_47 : vector<64x2048xi32>
    %jit3A_49 = arith.constant 0 : i32
    %broadcast_in_dim3A_50 = vector.shape_cast %broadcast_in_dim3A_45 : vector<64x1xi32> to vector<64x1xi32>
    %broadcast_in_dim3A_51 = vector.broadcast %broadcast_in_dim3A_50 : vector<64x1xi32> to vector<64x2048xi32>
    %broadcast_in_dim3A_52 = vector.broadcast %jit3A_49 : i32 to vector<64x2048xi32>
    %select_n3A_53 = arith.select %eq3A_48, %broadcast_in_dim3A_51, %broadcast_in_dim3A_52 : vector<64x2048xi1>, vector<64x2048xi32>
    %reduce_sum3A_54 = arith.constant dense<0> : vector<2048xi32>
    %reduce_sum3A_55 = vector.multi_reduction <add>, %select_n3A_53, %reduce_sum3A_54 [0] : vector<64x2048xi32> to vector<2048xi32>
    %broadcast_in_dim3A_56 = vector.shape_cast %reduce_sum3A_55 : vector<2048xi32> to vector<1x2048xi32>
    %broadcast_in_dim3A_57 = arith.constant 0 : i32
    %broadcast_in_dim3A_58 = vector.broadcast %broadcast_in_dim3A_57 : i32 to vector<1x2048xi32>
    %get3A_59 = arith.constant 0 : index
    %get3A_60 = arith.constant 0 : index
    %get3A_61 = vector.load %arg0[%get3A_59, %get3A_60] : memref<2048x1xi32, #tpu.memory_space<vmem>>, vector<256x1xi32>
    %iota3A_62 = tpu.iota {dimensions = array<i32: 0>} : vector<256x2048xi32>
    %add3A_63 = arith.constant 0 : i32
    %add3A_64 = vector.broadcast %add3A_63 : i32 to vector<256x2048xi32>
    %add3A_65 = arith.addi %add3A_64, %iota3A_62 : vector<256x2048xi32>
    %iota3A_66 = tpu.iota {dimensions = array<i32: 1>} : vector<256x2048xi32>
    %eq3A_67 = vector.broadcast %get3A_61 : vector<256x1xi32> to vector<256x2048xi32>
    %eq3A_68 = vector.broadcast %get3A_1 : vector<1x2048xi32> to vector<256x2048xi32>
    %eq3A_69 = arith.cmpi eq, %eq3A_67, %eq3A_68 : vector<256x2048xi32>
    %lt3A_70 = arith.cmpi slt, %add3A_65, %iota3A_66 : vector<256x2048xi32>
    %and3A_71 = arith.andi %eq3A_69, %lt3A_70 : vector<256x2048xi1>
    %convert_element_type3A_72 = arith.extui %and3A_71 : vector<256x2048xi1> to vector<256x2048xi32>
    %reduce_sum3A_73 = arith.constant dense<0> : vector<2048xi32>
    %reduce_sum3A_74 = vector.multi_reduction <add>, %convert_element_type3A_72, %reduce_sum3A_73 [0] : vector<256x2048xi32> to vector<2048xi32>
    %broadcast_in_dim3A_75 = vector.shape_cast %reduce_sum3A_74 : vector<2048xi32> to vector<1x2048xi32>
    %add3A_76 = arith.addi %broadcast_in_dim3A_58, %broadcast_in_dim3A_75 : vector<1x2048xi32>
    %get3A_77 = arith.constant 256 : index
    %get3A_78 = arith.constant 0 : index
    %get3A_79 = vector.load %arg0[%get3A_77, %get3A_78] : memref<2048x1xi32, #tpu.memory_space<vmem>>, vector<256x1xi32>
    %iota3A_80 = tpu.iota {dimensions = array<i32: 0>} : vector<256x2048xi32>
    %add3A_81 = arith.constant 256 : i32
    %add3A_82 = vector.broadcast %add3A_81 : i32 to vector<256x2048xi32>
    %add3A_83 = arith.addi %add3A_82, %iota3A_80 : vector<256x2048xi32>
    %iota3A_84 = tpu.iota {dimensions = array<i32: 1>} : vector<256x2048xi32>
    %eq3A_85 = vector.broadcast %get3A_79 : vector<256x1xi32> to vector<256x2048xi32>
    %eq3A_86 = vector.broadcast %get3A_1 : vector<1x2048xi32> to vector<256x2048xi32>
    %eq3A_87 = arith.cmpi eq, %eq3A_85, %eq3A_86 : vector<256x2048xi32>
    %lt3A_88 = arith.cmpi slt, %add3A_83, %iota3A_84 : vector<256x2048xi32>
    %and3A_89 = arith.andi %eq3A_87, %lt3A_88 : vector<256x2048xi1>
    %convert_element_type3A_90 = arith.extui %and3A_89 : vector<256x2048xi1> to vector<256x2048xi32>
    %reduce_sum3A_91 = arith.constant dense<0> : vector<2048xi32>
    %reduce_sum3A_92 = vector.multi_reduction <add>, %convert_element_type3A_90, %reduce_sum3A_91 [0] : vector<256x2048xi32> to vector<2048xi32>
    %broadcast_in_dim3A_93 = vector.shape_cast %reduce_sum3A_92 : vector<2048xi32> to vector<1x2048xi32>
    %add3A_94 = arith.addi %add3A_76, %broadcast_in_dim3A_93 : vector<1x2048xi32>
    %get3A_95 = arith.constant 512 : index
    %get3A_96 = arith.constant 0 : index
    %get3A_97 = vector.load %arg0[%get3A_95, %get3A_96] : memref<2048x1xi32, #tpu.memory_space<vmem>>, vector<256x1xi32>
    %iota3A_98 = tpu.iota {dimensions = array<i32: 0>} : vector<256x2048xi32>
    %add3A_99 = arith.constant 512 : i32
    %add3A_100 = vector.broadcast %add3A_99 : i32 to vector<256x2048xi32>
    %add3A_101 = arith.addi %add3A_100, %iota3A_98 : vector<256x2048xi32>
    %iota3A_102 = tpu.iota {dimensions = array<i32: 1>} : vector<256x2048xi32>
    %eq3A_103 = vector.broadcast %get3A_97 : vector<256x1xi32> to vector<256x2048xi32>
    %eq3A_104 = vector.broadcast %get3A_1 : vector<1x2048xi32> to vector<256x2048xi32>
    %eq3A_105 = arith.cmpi eq, %eq3A_103, %eq3A_104 : vector<256x2048xi32>
    %lt3A_106 = arith.cmpi slt, %add3A_101, %iota3A_102 : vector<256x2048xi32>
    %and3A_107 = arith.andi %eq3A_105, %lt3A_106 : vector<256x2048xi1>
    %convert_element_type3A_108 = arith.extui %and3A_107 : vector<256x2048xi1> to vector<256x2048xi32>
    %reduce_sum3A_109 = arith.constant dense<0> : vector<2048xi32>
    %reduce_sum3A_110 = vector.multi_reduction <add>, %convert_element_type3A_108, %reduce_sum3A_109 [0] : vector<256x2048xi32> to vector<2048xi32>
    %broadcast_in_dim3A_111 = vector.shape_cast %reduce_sum3A_110 : vector<2048xi32> to vector<1x2048xi32>
    %add3A_112 = arith.addi %add3A_94, %broadcast_in_dim3A_111 : vector<1x2048xi32>
    %get3A_113 = arith.constant 768 : index
    %get3A_114 = arith.constant 0 : index
    %get3A_115 = vector.load %arg0[%get3A_113, %get3A_114] : memref<2048x1xi32, #tpu.memory_space<vmem>>, vector<256x1xi32>
    %iota3A_116 = tpu.iota {dimensions = array<i32: 0>} : vector<256x2048xi32>
    %add3A_117 = arith.constant 768 : i32
    %add3A_118 = vector.broadcast %add3A_117 : i32 to vector<256x2048xi32>
    %add3A_119 = arith.addi %add3A_118, %iota3A_116 : vector<256x2048xi32>
    %iota3A_120 = tpu.iota {dimensions = array<i32: 1>} : vector<256x2048xi32>
    %eq3A_121 = vector.broadcast %get3A_115 : vector<256x1xi32> to vector<256x2048xi32>
    %eq3A_122 = vector.broadcast %get3A_1 : vector<1x2048xi32> to vector<256x2048xi32>
    %eq3A_123 = arith.cmpi eq, %eq3A_121, %eq3A_122 : vector<256x2048xi32>
    %lt3A_124 = arith.cmpi slt, %add3A_119, %iota3A_120 : vector<256x2048xi32>
    %and3A_125 = arith.andi %eq3A_123, %lt3A_124 : vector<256x2048xi1>
    %convert_element_type3A_126 = arith.extui %and3A_125 : vector<256x2048xi1> to vector<256x2048xi32>
    %reduce_sum3A_127 = arith.constant dense<0> : vector<2048xi32>
    %reduce_sum3A_128 = vector.multi_reduction <add>, %convert_element_type3A_126, %reduce_sum3A_127 [0] : vector<256x2048xi32> to vector<2048xi32>
    %broadcast_in_dim3A_129 = vector.shape_cast %reduce_sum3A_128 : vector<2048xi32> to vector<1x2048xi32>
    %add3A_130 = arith.addi %add3A_112, %broadcast_in_dim3A_129 : vector<1x2048xi32>
    %get3A_131 = arith.constant 1024 : index
    %get3A_132 = arith.constant 0 : index
    %get3A_133 = vector.load %arg0[%get3A_131, %get3A_132] : memref<2048x1xi32, #tpu.memory_space<vmem>>, vector<256x1xi32>
    %iota3A_134 = tpu.iota {dimensions = array<i32: 0>} : vector<256x2048xi32>
    %add3A_135 = arith.constant 1024 : i32
    %add3A_136 = vector.broadcast %add3A_135 : i32 to vector<256x2048xi32>
    %add3A_137 = arith.addi %add3A_136, %iota3A_134 : vector<256x2048xi32>
    %iota3A_138 = tpu.iota {dimensions = array<i32: 1>} : vector<256x2048xi32>
    %eq3A_139 = vector.broadcast %get3A_133 : vector<256x1xi32> to vector<256x2048xi32>
    %eq3A_140 = vector.broadcast %get3A_1 : vector<1x2048xi32> to vector<256x2048xi32>
    %eq3A_141 = arith.cmpi eq, %eq3A_139, %eq3A_140 : vector<256x2048xi32>
    %lt3A_142 = arith.cmpi slt, %add3A_137, %iota3A_138 : vector<256x2048xi32>
    %and3A_143 = arith.andi %eq3A_141, %lt3A_142 : vector<256x2048xi1>
    %convert_element_type3A_144 = arith.extui %and3A_143 : vector<256x2048xi1> to vector<256x2048xi32>
    %reduce_sum3A_145 = arith.constant dense<0> : vector<2048xi32>
    %reduce_sum3A_146 = vector.multi_reduction <add>, %convert_element_type3A_144, %reduce_sum3A_145 [0] : vector<256x2048xi32> to vector<2048xi32>
    %broadcast_in_dim3A_147 = vector.shape_cast %reduce_sum3A_146 : vector<2048xi32> to vector<1x2048xi32>
    %add3A_148 = arith.addi %add3A_130, %broadcast_in_dim3A_147 : vector<1x2048xi32>
    %get3A_149 = arith.constant 1280 : index
    %get3A_150 = arith.constant 0 : index
    %get3A_151 = vector.load %arg0[%get3A_149, %get3A_150] : memref<2048x1xi32, #tpu.memory_space<vmem>>, vector<256x1xi32>
    %iota3A_152 = tpu.iota {dimensions = array<i32: 0>} : vector<256x2048xi32>
    %add3A_153 = arith.constant 1280 : i32
    %add3A_154 = vector.broadcast %add3A_153 : i32 to vector<256x2048xi32>
    %add3A_155 = arith.addi %add3A_154, %iota3A_152 : vector<256x2048xi32>
    %iota3A_156 = tpu.iota {dimensions = array<i32: 1>} : vector<256x2048xi32>
    %eq3A_157 = vector.broadcast %get3A_151 : vector<256x1xi32> to vector<256x2048xi32>
    %eq3A_158 = vector.broadcast %get3A_1 : vector<1x2048xi32> to vector<256x2048xi32>
    %eq3A_159 = arith.cmpi eq, %eq3A_157, %eq3A_158 : vector<256x2048xi32>
    %lt3A_160 = arith.cmpi slt, %add3A_155, %iota3A_156 : vector<256x2048xi32>
    %and3A_161 = arith.andi %eq3A_159, %lt3A_160 : vector<256x2048xi1>
    %convert_element_type3A_162 = arith.extui %and3A_161 : vector<256x2048xi1> to vector<256x2048xi32>
    %reduce_sum3A_163 = arith.constant dense<0> : vector<2048xi32>
    %reduce_sum3A_164 = vector.multi_reduction <add>, %convert_element_type3A_162, %reduce_sum3A_163 [0] : vector<256x2048xi32> to vector<2048xi32>
    %broadcast_in_dim3A_165 = vector.shape_cast %reduce_sum3A_164 : vector<2048xi32> to vector<1x2048xi32>
    %add3A_166 = arith.addi %add3A_148, %broadcast_in_dim3A_165 : vector<1x2048xi32>
    %get3A_167 = arith.constant 1536 : index
    %get3A_168 = arith.constant 0 : index
    %get3A_169 = vector.load %arg0[%get3A_167, %get3A_168] : memref<2048x1xi32, #tpu.memory_space<vmem>>, vector<256x1xi32>
    %iota3A_170 = tpu.iota {dimensions = array<i32: 0>} : vector<256x2048xi32>
    %add3A_171 = arith.constant 1536 : i32
    %add3A_172 = vector.broadcast %add3A_171 : i32 to vector<256x2048xi32>
    %add3A_173 = arith.addi %add3A_172, %iota3A_170 : vector<256x2048xi32>
    %iota3A_174 = tpu.iota {dimensions = array<i32: 1>} : vector<256x2048xi32>
    %eq3A_175 = vector.broadcast %get3A_169 : vector<256x1xi32> to vector<256x2048xi32>
    %eq3A_176 = vector.broadcast %get3A_1 : vector<1x2048xi32> to vector<256x2048xi32>
    %eq3A_177 = arith.cmpi eq, %eq3A_175, %eq3A_176 : vector<256x2048xi32>
    %lt3A_178 = arith.cmpi slt, %add3A_173, %iota3A_174 : vector<256x2048xi32>
    %and3A_179 = arith.andi %eq3A_177, %lt3A_178 : vector<256x2048xi1>
    %convert_element_type3A_180 = arith.extui %and3A_179 : vector<256x2048xi1> to vector<256x2048xi32>
    %reduce_sum3A_181 = arith.constant dense<0> : vector<2048xi32>
    %reduce_sum3A_182 = vector.multi_reduction <add>, %convert_element_type3A_180, %reduce_sum3A_181 [0] : vector<256x2048xi32> to vector<2048xi32>
    %broadcast_in_dim3A_183 = vector.shape_cast %reduce_sum3A_182 : vector<2048xi32> to vector<1x2048xi32>
    %add3A_184 = arith.addi %add3A_166, %broadcast_in_dim3A_183 : vector<1x2048xi32>
    %get3A_185 = arith.constant 1792 : index
    %get3A_186 = arith.constant 0 : index
    %get3A_187 = vector.load %arg0[%get3A_185, %get3A_186] : memref<2048x1xi32, #tpu.memory_space<vmem>>, vector<256x1xi32>
    %iota3A_188 = tpu.iota {dimensions = array<i32: 0>} : vector<256x2048xi32>
    %add3A_189 = arith.constant 1792 : i32
    %add3A_190 = vector.broadcast %add3A_189 : i32 to vector<256x2048xi32>
    %add3A_191 = arith.addi %add3A_190, %iota3A_188 : vector<256x2048xi32>
    %iota3A_192 = tpu.iota {dimensions = array<i32: 1>} : vector<256x2048xi32>
    %eq3A_193 = vector.broadcast %get3A_187 : vector<256x1xi32> to vector<256x2048xi32>
    %eq3A_194 = vector.broadcast %get3A_1 : vector<1x2048xi32> to vector<256x2048xi32>
    %eq3A_195 = arith.cmpi eq, %eq3A_193, %eq3A_194 : vector<256x2048xi32>
    %lt3A_196 = arith.cmpi slt, %add3A_191, %iota3A_192 : vector<256x2048xi32>
    %and3A_197 = arith.andi %eq3A_195, %lt3A_196 : vector<256x2048xi1>
    %convert_element_type3A_198 = arith.extui %and3A_197 : vector<256x2048xi1> to vector<256x2048xi32>
    %reduce_sum3A_199 = arith.constant dense<0> : vector<2048xi32>
    %reduce_sum3A_200 = vector.multi_reduction <add>, %convert_element_type3A_198, %reduce_sum3A_199 [0] : vector<256x2048xi32> to vector<2048xi32>
    %broadcast_in_dim3A_201 = vector.shape_cast %reduce_sum3A_200 : vector<2048xi32> to vector<1x2048xi32>
    %add3A_202 = arith.addi %add3A_184, %broadcast_in_dim3A_201 : vector<1x2048xi32>
    %add3A_203 = arith.addi %broadcast_in_dim3A_56, %add3A_202 : vector<1x2048xi32>
    %swap3A = arith.constant 0 : index
    %swap3A_204 = arith.constant 0 : index
    %swap3A_205 = vector.load %arg2[%swap3A, %swap3A_204] : memref<1x2048xi32, #tpu.memory_space<vmem>>, vector<1x2048xi32>
    tpu.vector_store %arg2[%swap3A, %swap3A_204], %add3A_203 {strides = array<i32>} : memref<1x2048xi32, #tpu.memory_space<vmem>>, vector<1x2048xi32>,
    return
  }
}

module attributes {stable_mosaic.version = 14 : i64} {
  func.func @_expert_kernel(%arg0: i32, %arg1: memref<1x2048xi32, #tpu.memory_space<vmem>>, %arg2: memref<2688x1024xf32, #tpu.memory_space<vmem>>, %arg3: memref<64x1024xf32, #tpu.memory_space<vmem>>, %arg4: memref<2x1024x1024xf32, #tpu.memory_space<vmem>>, %arg5: memref<2688x1024xf32, #tpu.memory_space<vmem>>) attributes {dimension_semantics = [#tpu.dimension_semantics<arbitrary>], iteration_bounds = array<i64: 32>, scalar_prefetch = 0 : i64, scratch_operands = 0 : i64, tpu.core_type = #tpu.core_type<tc>, window_params = [{pipeline_mode = #tpu.pipeline_mode<synchronous>, transform_indices = @transform_0, window_bounds = array<i64: 1, 2048>}, {pipeline_mode = #tpu.pipeline_mode<synchronous>, transform_indices = @transform_1, window_bounds = array<i64: 2688, 1024>}, {pipeline_mode = #tpu.pipeline_mode<synchronous>, transform_indices = @transform_2, window_bounds = array<i64: 64, 1024>}, {transform_indices = @transform_3, window_bounds = array<i64: 2, 1024, 1024>}, {pipeline_mode = #tpu.pipeline_mode<synchronous>, transform_indices = @transform_4, window_bounds = array<i64: 2688, 1024>}]} {
    %get3A = arith.constant 0 : index
    %get3A_0 = arith.constant 0 : index
    %get3A_1 = vector.load %arg1[%get3A, %get3A_0] : memref<1x2048xi32, #tpu.memory_space<vmem>>, vector<1x2048xi32>
    %get3A_2 = arith.constant 0 : index
    %get3A_3 = arith.constant 0 : index
    %get3A_4 = vector.load %arg3[%get3A_2, %get3A_3] : memref<64x1024xf32, #tpu.memory_space<vmem>>, vector<64x1024xf32>
    %iota3A = tpu.iota {dimensions = array<i32: 0>} : vector<64x1xi32>
    %eq3A = vector.broadcast %iota3A : vector<64x1xi32> to vector<64x2048xi32>
    %eq3A_5 = vector.broadcast %get3A_1 : vector<1x2048xi32> to vector<64x2048xi32>
    %eq3A_6 = arith.cmpi eq, %eq3A, %eq3A_5 : vector<64x2048xi32>
    %convert_element_type3A = arith.extui %eq3A_6 : vector<64x2048xi1> to vector<64x2048xi32>
    %reduce_sum3A = arith.constant dense<0> : vector<64xi32>
    %reduce_sum3A_7 = vector.multi_reduction <add>, %convert_element_type3A, %reduce_sum3A [1] : vector<64x2048xi32> to vector<64xi32>
    %broadcast_in_dim3A = vector.shape_cast %reduce_sum3A_7 : vector<64xi32> to vector<64x1xi32>
    %add3A = arith.constant 7 : i32
    %add3A_8 = vector.broadcast %add3A : i32 to vector<64x1xi32>
    %add3A_9 = arith.addi %broadcast_in_dim3A, %add3A_8 : vector<64x1xi32>
    %jit3A = arith.constant 8 : i32
    %div3A = vector.broadcast %jit3A : i32 to vector<64x1xi32>
    %div3A_10 = arith.divsi %add3A_9, %div3A : vector<64x1xi32>
    %sign3A = arith.constant 0 : i32
    %sign3A_11 = vector.broadcast %sign3A : i32 to vector<64x1xi32>
    %sign3A_12 = arith.cmpi sgt, %add3A_9, %sign3A_11 : vector<64x1xi32>
    %sign3A_13 = arith.extui %sign3A_12 : vector<64x1xi1> to vector<64x1xi32>
    %sign3A_14 = arith.constant 0 : i32
    %sign3A_15 = vector.broadcast %sign3A_14 : i32 to vector<64x1xi32>
    %sign3A_16 = arith.cmpi slt, %add3A_9, %sign3A_15 : vector<64x1xi32>
    %sign3A_17 = arith.extui %sign3A_16 : vector<64x1xi1> to vector<64x1xi32>
    %sign3A_18 = arith.subi %sign3A_13, %sign3A_17 : vector<64x1xi32>
    %sign3A_19 = arith.constant 0 : i32
    %sign3A_20 = arith.cmpi sgt, %jit3A, %sign3A_19 : i32
    %sign3A_21 = arith.extui %sign3A_20 : i1 to i32
    %sign3A_22 = arith.constant 0 : i32
    %sign3A_23 = arith.cmpi slt, %jit3A, %sign3A_22 : i32
    %sign3A_24 = arith.extui %sign3A_23 : i1 to i32
    %sign3A_25 = arith.subi %sign3A_21, %sign3A_24 : i32
    %ne3A = vector.broadcast %sign3A_25 : i32 to vector<64x1xi32>
    %ne3A_26 = arith.cmpi ne, %sign3A_18, %ne3A : vector<64x1xi32>
    %rem3A = vector.broadcast %jit3A : i32 to vector<64x1xi32>
    %rem3A_27 = arith.remsi %add3A_9, %rem3A : vector<64x1xi32>
    %ne3A_28 = arith.constant 0 : i32
    %ne3A_29 = vector.broadcast %ne3A_28 : i32 to vector<64x1xi32>
    %ne3A_30 = arith.cmpi ne, %rem3A_27, %ne3A_29 : vector<64x1xi32>
    %and3A = arith.andi %ne3A_26, %ne3A_30 : vector<64x1xi1>
    %sub3A = arith.constant 1 : i32
    %sub3A_31 = vector.broadcast %sub3A : i32 to vector<64x1xi32>
    %sub3A_32 = arith.subi %div3A_10, %sub3A_31 : vector<64x1xi32>
    %select_n3A = arith.select %and3A, %sub3A_32, %div3A_10 : vector<64x1xi1>, vector<64x1xi32>
    %mul3A = arith.constant 8 : i32
    %mul3A_33 = vector.broadcast %mul3A : i32 to vector<64x1xi32>
    %mul3A_34 = arith.muli %select_n3A, %mul3A_33 : vector<64x1xi32>
    %mul3A_35 = arith.constant 2 : i32
    %mul3A_36 = arith.muli %arg0, %mul3A_35 : i32
    %add3A_37 = arith.constant 0 : i32
    %add3A_38 = arith.addi %mul3A_36, %add3A_37 : i32
    %lt3A = vector.broadcast %add3A_38 : i32 to vector<64x1xi32>
    %lt3A_39 = arith.cmpi slt, %iota3A, %lt3A : vector<64x1xi32>
    %jit3A_40 = arith.constant 0 : i32
    %broadcast_in_dim3A_41 = vector.broadcast %jit3A_40 : i32 to vector<64x1xi32>
    %select_n3A_42 = arith.select %lt3A_39, %mul3A_34, %broadcast_in_dim3A_41 : vector<64x1xi1>, vector<64x1xi32>
    %reduce_sum3A_43 = vector.shape_cast %select_n3A_42 : vector<64x1xi32> to vector<1x64x1xi32>
    %reduce_sum3A_44 = arith.constant dense<0> : vector<1xi32>
    %reduce_sum3A_45 = vector.multi_reduction <add>, %reduce_sum3A_43, %reduce_sum3A_44 [1, 2] : vector<1x64x1xi32> to vector<1xi32>
    %reduce_sum3A_46 = vector.shape_cast %reduce_sum3A_45 : vector<1xi32> to vector<1x1x1xi32>
    %reduce_sum3A_47 = vector.extract %reduce_sum3A_46[0, 0, 0] : i32 from vector<1x1x1xi32>
    %multiple_of3A = tpu.assume_multiple %reduce_sum3A_47, 8 : i32
    %eq3A_48 = vector.broadcast %add3A_38 : i32 to vector<1x2048xi32>
    %eq3A_49 = arith.cmpi eq, %get3A_1, %eq3A_48 : vector<1x2048xi32>
    %convert_element_type3A_50 = arith.extui %eq3A_49 : vector<1x2048xi1> to vector<1x2048xi32>
    %reduce_sum3A_51 = vector.shape_cast %convert_element_type3A_50 : vector<1x2048xi32> to vector<1x1x2048xi32>
    %reduce_sum3A_52 = arith.constant dense<0> : vector<1xi32>
    %reduce_sum3A_53 = vector.multi_reduction <add>, %reduce_sum3A_51, %reduce_sum3A_52 [1, 2] : vector<1x1x2048xi32> to vector<1xi32>
    %reduce_sum3A_54 = vector.shape_cast %reduce_sum3A_53 : vector<1xi32> to vector<1x1x1xi32>
    %reduce_sum3A_55 = vector.extract %reduce_sum3A_54[0, 0, 0] : i32 from vector<1x1x1xi32>
    %add3A_56 = arith.constant 127 : i32
    %add3A_57 = arith.addi %reduce_sum3A_55, %add3A_56 : i32
    %jit3A_58 = arith.constant 128 : i32
    %div3A_59 = arith.divsi %add3A_57, %jit3A_58 : i32
    %sign3A_60 = arith.constant 0 : i32
    %sign3A_61 = arith.cmpi sgt, %add3A_57, %sign3A_60 : i32
    %sign3A_62 = arith.extui %sign3A_61 : i1 to i32
    %sign3A_63 = arith.constant 0 : i32
    %sign3A_64 = arith.cmpi slt, %add3A_57, %sign3A_63 : i32
    %sign3A_65 = arith.extui %sign3A_64 : i1 to i32
    %sign3A_66 = arith.subi %sign3A_62, %sign3A_65 : i32
    %sign3A_67 = arith.constant 0 : i32
    %sign3A_68 = arith.cmpi sgt, %jit3A_58, %sign3A_67 : i32
    %sign3A_69 = arith.extui %sign3A_68 : i1 to i32
    %sign3A_70 = arith.constant 0 : i32
    %sign3A_71 = arith.cmpi slt, %jit3A_58, %sign3A_70 : i32
    %sign3A_72 = arith.extui %sign3A_71 : i1 to i32
    %sign3A_73 = arith.subi %sign3A_69, %sign3A_72 : i32
    %ne3A_74 = arith.cmpi ne, %sign3A_66, %sign3A_73 : i32
    %rem3A_75 = arith.remsi %add3A_57, %jit3A_58 : i32
    %ne3A_76 = arith.constant 0 : i32
    %ne3A_77 = arith.cmpi ne, %rem3A_75, %ne3A_76 : i32
    %and3A_78 = arith.andi %ne3A_74, %ne3A_77 : i1
    %sub3A_79 = arith.constant 1 : i32
    %sub3A_80 = arith.subi %div3A_59, %sub3A_79 : i32
    %select_n3A_81 = arith.select %and3A_78, %sub3A_80, %div3A_59 : i32
    %eq3A_82 = vector.broadcast %add3A_38 : i32 to vector<64x1xi32>
    %eq3A_83 = arith.cmpi eq, %iota3A, %eq3A_82 : vector<64x1xi32>
    %jit3A_84 = arith.constant 0.000000e+00 : f32
    %broadcast_in_dim3A_85 = vector.shape_cast %eq3A_83 : vector<64x1xi1> to vector<64x1xi1>
    %broadcast_in_dim3A_86 = vector.broadcast %broadcast_in_dim3A_85 : vector<64x1xi1> to vector<64x1024xi1>
    %broadcast_in_dim3A_87 = vector.broadcast %jit3A_84 : f32 to vector<64x1024xf32>
    %select_n3A_88 = arith.select %broadcast_in_dim3A_86, %get3A_4, %broadcast_in_dim3A_87 : vector<64x1024xi1>, vector<64x1024xf32>
    %reduce_sum3A_89 = arith.constant dense<0.000000e+00> : vector<1024xf32>
    %reduce_sum3A_90 = vector.multi_reduction <add>, %select_n3A_88, %reduce_sum3A_89 [0] : vector<64x1024xf32> to vector<1024xf32>
    %broadcast_in_dim3A_91 = vector.shape_cast %reduce_sum3A_90 : vector<1024xf32> to vector<1x1024xf32>
    %while3A = arith.constant 0 : i32
    %while3A_92 = arith.constant 0 : i32
    %while3A_93 = arith.subi %select_n3A_81, %while3A_92 : i32
    %while3A_94 = arith.addi %while3A_92, %while3A_93 : i32
    %while3A_95 = arith.constant 1 : i32
    %while3A_96 = arith.divsi %while3A_93, %while3A_95 : i32
    %while3A_97 = arith.muli %while3A_96, %while3A_95 : i32
    %while3A_98 = arith.addi %while3A_92, %while3A_97 : i32
    %while3A_99 = arith.constant 1 : i32
    scf.for %while3A_170 = %while3A_92 to %while3A_98 step %while3A_99  : i32 {
      %mul3A_171 = arith.constant 128 : i32
      %mul3A_172 = arith.muli %while3A_170, %mul3A_171 : i32
      %add3A_173 = arith.addi %multiple_of3A, %mul3A_172 : i32
      %get3A_174 = arith.index_cast %add3A_173 : i32 to index
      %get3A_175 = arith.constant 0 : index
      %get3A_176 = vector.load %arg2[%get3A_174, %get3A_175] : memref<2688x1024xf32, #tpu.memory_space<vmem>>, vector<128x1024xf32>
      %get3A_177 = arith.constant 0 : index
      %get3A_178 = arith.constant 0 : index
      %get3A_179 = arith.constant 0 : index
      %get3A_180 = vector.load %arg4[%get3A_177, %get3A_178, %get3A_179] : memref<2x1024x1024xf32, #tpu.memory_space<vmem>>, vector<1x1024x1024xf32>
      %get3A_181 = vector.shape_cast %get3A_180 : vector<1x1024x1024xf32> to vector<1024x1024xf32>
      %dot_general3A = arith.constant dense<0.000000e+00> : vector<128x1024xf32>
      %dot_general3A_182 = tpu.matmul %get3A_176, %get3A_181, %dot_general3A {dimension_numbers = #tpu.dot_dimension_numbers<[1], [0], [0], [1], [0, 0, 1, 1], [], []>, transpose_lhs_hint = false} : vector<128x1024xf32>, vector<1024x1024xf32>, vector<128x1024xf32> -> vector<128x1024xf32>
      %add3A_183 = vector.broadcast %broadcast_in_dim3A_91 : vector<1x1024xf32> to vector<128x1024xf32>
      %add3A_184 = arith.addf %dot_general3A_182, %add3A_183 : vector<128x1024xf32>
      %tanh3A = math.tanh %add3A_184 : vector<128x1024xf32>
      %swap3A = arith.index_cast %add3A_173 : i32 to index
      %swap3A_185 = arith.constant 0 : index
      %swap3A_186 = vector.load %arg5[%swap3A, %swap3A_185] : memref<2688x1024xf32, #tpu.memory_space<vmem>>, vector<128x1024xf32>
      tpu.vector_store %arg5[%swap3A, %swap3A_185], %tanh3A {strides = array<i32>} : memref<2688x1024xf32, #tpu.memory_space<vmem>>, vector<128x1024xf32>,
    }
    %while3A_100 = arith.constant 1 : i32
    scf.for %while3A_170 = %while3A_98 to %while3A_94 step %while3A_100  : i32 {
      %mul3A_171 = arith.constant 128 : i32
      %mul3A_172 = arith.muli %while3A_170, %mul3A_171 : i32
      %add3A_173 = arith.addi %multiple_of3A, %mul3A_172 : i32
      %get3A_174 = arith.index_cast %add3A_173 : i32 to index
      %get3A_175 = arith.constant 0 : index
      %get3A_176 = vector.load %arg2[%get3A_174, %get3A_175] : memref<2688x1024xf32, #tpu.memory_space<vmem>>, vector<128x1024xf32>
      %get3A_177 = arith.constant 0 : index
      %get3A_178 = arith.constant 0 : index
      %get3A_179 = arith.constant 0 : index
      %get3A_180 = vector.load %arg4[%get3A_177, %get3A_178, %get3A_179] : memref<2x1024x1024xf32, #tpu.memory_space<vmem>>, vector<1x1024x1024xf32>
      %get3A_181 = vector.shape_cast %get3A_180 : vector<1x1024x1024xf32> to vector<1024x1024xf32>
      %dot_general3A = arith.constant dense<0.000000e+00> : vector<128x1024xf32>
      %dot_general3A_182 = tpu.matmul %get3A_176, %get3A_181, %dot_general3A {dimension_numbers = #tpu.dot_dimension_numbers<[1], [0], [0], [1], [0, 0, 1, 1], [], []>, transpose_lhs_hint = false} : vector<128x1024xf32>, vector<1024x1024xf32>, vector<128x1024xf32> -> vector<128x1024xf32>
      %add3A_183 = vector.broadcast %broadcast_in_dim3A_91 : vector<1x1024xf32> to vector<128x1024xf32>
      %add3A_184 = arith.addf %dot_general3A_182, %add3A_183 : vector<128x1024xf32>
      %tanh3A = math.tanh %add3A_184 : vector<128x1024xf32>
      %swap3A = arith.index_cast %add3A_173 : i32 to index
      %swap3A_185 = arith.constant 0 : index
      %swap3A_186 = vector.load %arg5[%swap3A, %swap3A_185] : memref<2688x1024xf32, #tpu.memory_space<vmem>>, vector<128x1024xf32>
      tpu.vector_store %arg5[%swap3A, %swap3A_185], %tanh3A {strides = array<i32>} : memref<2688x1024xf32, #tpu.memory_space<vmem>>, vector<128x1024xf32>,
    }
    %mul3A_101 = arith.constant 2 : i32
    %mul3A_102 = arith.muli %arg0, %mul3A_101 : i32
    %add3A_103 = arith.constant 1 : i32
    %add3A_104 = arith.addi %mul3A_102, %add3A_103 : i32
    %lt3A_105 = vector.broadcast %add3A_104 : i32 to vector<64x1xi32>
    %lt3A_106 = arith.cmpi slt, %iota3A, %lt3A_105 : vector<64x1xi32>
    %jit3A_107 = arith.constant 0 : i32
    %broadcast_in_dim3A_108 = vector.broadcast %jit3A_107 : i32 to vector<64x1xi32>
    %select_n3A_109 = arith.select %lt3A_106, %mul3A_34, %broadcast_in_dim3A_108 : vector<64x1xi1>, vector<64x1xi32>
    %reduce_sum3A_110 = vector.shape_cast %select_n3A_109 : vector<64x1xi32> to vector<1x64x1xi32>
    %reduce_sum3A_111 = arith.constant dense<0> : vector<1xi32>
    %reduce_sum3A_112 = vector.multi_reduction <add>, %reduce_sum3A_110, %reduce_sum3A_111 [1, 2] : vector<1x64x1xi32> to vector<1xi32>
    %reduce_sum3A_113 = vector.shape_cast %reduce_sum3A_112 : vector<1xi32> to vector<1x1x1xi32>
    %reduce_sum3A_114 = vector.extract %reduce_sum3A_113[0, 0, 0] : i32 from vector<1x1x1xi32>
    %multiple_of3A_115 = tpu.assume_multiple %reduce_sum3A_114, 8 : i32
    %eq3A_116 = vector.broadcast %add3A_104 : i32 to vector<1x2048xi32>
    %eq3A_117 = arith.cmpi eq, %get3A_1, %eq3A_116 : vector<1x2048xi32>
    %convert_element_type3A_118 = arith.extui %eq3A_117 : vector<1x2048xi1> to vector<1x2048xi32>
    %reduce_sum3A_119 = vector.shape_cast %convert_element_type3A_118 : vector<1x2048xi32> to vector<1x1x2048xi32>
    %reduce_sum3A_120 = arith.constant dense<0> : vector<1xi32>
    %reduce_sum3A_121 = vector.multi_reduction <add>, %reduce_sum3A_119, %reduce_sum3A_120 [1, 2] : vector<1x1x2048xi32> to vector<1xi32>
    %reduce_sum3A_122 = vector.shape_cast %reduce_sum3A_121 : vector<1xi32> to vector<1x1x1xi32>
    %reduce_sum3A_123 = vector.extract %reduce_sum3A_122[0, 0, 0] : i32 from vector<1x1x1xi32>
    %add3A_124 = arith.constant 127 : i32
    %add3A_125 = arith.addi %reduce_sum3A_123, %add3A_124 : i32
    %jit3A_126 = arith.constant 128 : i32
    %div3A_127 = arith.divsi %add3A_125, %jit3A_126 : i32
    %sign3A_128 = arith.constant 0 : i32
    %sign3A_129 = arith.cmpi sgt, %add3A_125, %sign3A_128 : i32
    %sign3A_130 = arith.extui %sign3A_129 : i1 to i32
    %sign3A_131 = arith.constant 0 : i32
    %sign3A_132 = arith.cmpi slt, %add3A_125, %sign3A_131 : i32
    %sign3A_133 = arith.extui %sign3A_132 : i1 to i32
    %sign3A_134 = arith.subi %sign3A_130, %sign3A_133 : i32
    %sign3A_135 = arith.constant 0 : i32
    %sign3A_136 = arith.cmpi sgt, %jit3A_126, %sign3A_135 : i32
    %sign3A_137 = arith.extui %sign3A_136 : i1 to i32
    %sign3A_138 = arith.constant 0 : i32
    %sign3A_139 = arith.cmpi slt, %jit3A_126, %sign3A_138 : i32
    %sign3A_140 = arith.extui %sign3A_139 : i1 to i32
    %sign3A_141 = arith.subi %sign3A_137, %sign3A_140 : i32
    %ne3A_142 = arith.cmpi ne, %sign3A_134, %sign3A_141 : i32
    %rem3A_143 = arith.remsi %add3A_125, %jit3A_126 : i32
    %ne3A_144 = arith.constant 0 : i32
    %ne3A_145 = arith.cmpi ne, %rem3A_143, %ne3A_144 : i32
    %and3A_146 = arith.andi %ne3A_142, %ne3A_145 : i1
    %sub3A_147 = arith.constant 1 : i32
    %sub3A_148 = arith.subi %div3A_127, %sub3A_147 : i32
    %select_n3A_149 = arith.select %and3A_146, %sub3A_148, %div3A_127 : i32
    %eq3A_150 = vector.broadcast %add3A_104 : i32 to vector<64x1xi32>
    %eq3A_151 = arith.cmpi eq, %iota3A, %eq3A_150 : vector<64x1xi32>
    %jit3A_152 = arith.constant 0.000000e+00 : f32
    %broadcast_in_dim3A_153 = vector.shape_cast %eq3A_151 : vector<64x1xi1> to vector<64x1xi1>
    %broadcast_in_dim3A_154 = vector.broadcast %broadcast_in_dim3A_153 : vector<64x1xi1> to vector<64x1024xi1>
    %broadcast_in_dim3A_155 = vector.broadcast %jit3A_152 : f32 to vector<64x1024xf32>
    %select_n3A_156 = arith.select %broadcast_in_dim3A_154, %get3A_4, %broadcast_in_dim3A_155 : vector<64x1024xi1>, vector<64x1024xf32>
    %reduce_sum3A_157 = arith.constant dense<0.000000e+00> : vector<1024xf32>
    %reduce_sum3A_158 = vector.multi_reduction <add>, %select_n3A_156, %reduce_sum3A_157 [0] : vector<64x1024xf32> to vector<1024xf32>
    %broadcast_in_dim3A_159 = vector.shape_cast %reduce_sum3A_158 : vector<1024xf32> to vector<1x1024xf32>
    %while3A_160 = arith.constant 0 : i32
    %while3A_161 = arith.constant 0 : i32
    %while3A_162 = arith.subi %select_n3A_149, %while3A_161 : i32
    %while3A_163 = arith.addi %while3A_161, %while3A_162 : i32
    %while3A_164 = arith.constant 1 : i32
    %while3A_165 = arith.divsi %while3A_162, %while3A_164 : i32
    %while3A_166 = arith.muli %while3A_165, %while3A_164 : i32
    %while3A_167 = arith.addi %while3A_161, %while3A_166 : i32
    %while3A_168 = arith.constant 1 : i32
    scf.for %while3A_170 = %while3A_161 to %while3A_167 step %while3A_168  : i32 {
      %mul3A_171 = arith.constant 128 : i32
      %mul3A_172 = arith.muli %while3A_170, %mul3A_171 : i32
      %add3A_173 = arith.addi %multiple_of3A_115, %mul3A_172 : i32
      %get3A_174 = arith.index_cast %add3A_173 : i32 to index
      %get3A_175 = arith.constant 0 : index
      %get3A_176 = vector.load %arg2[%get3A_174, %get3A_175] : memref<2688x1024xf32, #tpu.memory_space<vmem>>, vector<128x1024xf32>
      %get3A_177 = arith.constant 1 : index
      %get3A_178 = arith.constant 0 : index
      %get3A_179 = arith.constant 0 : index
      %get3A_180 = vector.load %arg4[%get3A_177, %get3A_178, %get3A_179] : memref<2x1024x1024xf32, #tpu.memory_space<vmem>>, vector<1x1024x1024xf32>
      %get3A_181 = vector.shape_cast %get3A_180 : vector<1x1024x1024xf32> to vector<1024x1024xf32>
      %dot_general3A = arith.constant dense<0.000000e+00> : vector<128x1024xf32>
      %dot_general3A_182 = tpu.matmul %get3A_176, %get3A_181, %dot_general3A {dimension_numbers = #tpu.dot_dimension_numbers<[1], [0], [0], [1], [0, 0, 1, 1], [], []>, transpose_lhs_hint = false} : vector<128x1024xf32>, vector<1024x1024xf32>, vector<128x1024xf32> -> vector<128x1024xf32>
      %add3A_183 = vector.broadcast %broadcast_in_dim3A_159 : vector<1x1024xf32> to vector<128x1024xf32>
      %add3A_184 = arith.addf %dot_general3A_182, %add3A_183 : vector<128x1024xf32>
      %tanh3A = math.tanh %add3A_184 : vector<128x1024xf32>
      %swap3A = arith.index_cast %add3A_173 : i32 to index
      %swap3A_185 = arith.constant 0 : index
      %swap3A_186 = vector.load %arg5[%swap3A, %swap3A_185] : memref<2688x1024xf32, #tpu.memory_space<vmem>>, vector<128x1024xf32>
      tpu.vector_store %arg5[%swap3A, %swap3A_185], %tanh3A {strides = array<i32>} : memref<2688x1024xf32, #tpu.memory_space<vmem>>, vector<128x1024xf32>,
    }
    %while3A_169 = arith.constant 1 : i32
    scf.for %while3A_170 = %while3A_167 to %while3A_163 step %while3A_169  : i32 {
      %mul3A_171 = arith.constant 128 : i32
      %mul3A_172 = arith.muli %while3A_170, %mul3A_171 : i32
      %add3A_173 = arith.addi %multiple_of3A_115, %mul3A_172 : i32
      %get3A_174 = arith.index_cast %add3A_173 : i32 to index
      %get3A_175 = arith.constant 0 : index
      %get3A_176 = vector.load %arg2[%get3A_174, %get3A_175] : memref<2688x1024xf32, #tpu.memory_space<vmem>>, vector<128x1024xf32>
      %get3A_177 = arith.constant 1 : index
      %get3A_178 = arith.constant 0 : index
      %get3A_179 = arith.constant 0 : index
      %get3A_180 = vector.load %arg4[%get3A_177, %get3A_178, %get3A_179] : memref<2x1024x1024xf32, #tpu.memory_space<vmem>>, vector<1x1024x1024xf32>
      %get3A_181 = vector.shape_cast %get3A_180 : vector<1x1024x1024xf32> to vector<1024x1024xf32>
      %dot_general3A = arith.constant dense<0.000000e+00> : vector<128x1024xf32>
      %dot_general3A_182 = tpu.matmul %get3A_176, %get3A_181, %dot_general3A {dimension_numbers = #tpu.dot_dimension_numbers<[1], [0], [0], [1], [0, 0, 1, 1], [], []>, transpose_lhs_hint = false} : vector<128x1024xf32>, vector<1024x1024xf32>, vector<128x1024xf32> -> vector<128x1024xf32>
      %add3A_183 = vector.broadcast %broadcast_in_dim3A_159 : vector<1x1024xf32> to vector<128x1024xf32>
      %add3A_184 = arith.addf %dot_general3A_182, %add3A_183 : vector<128x1024xf32>
      %tanh3A = math.tanh %add3A_184 : vector<128x1024xf32>
      %swap3A = arith.index_cast %add3A_173 : i32 to index
      %swap3A_185 = arith.constant 0 : index
      %swap3A_186 = vector.load %arg5[%swap3A, %swap3A_185] : memref<2688x1024xf32, #tpu.memory_space<vmem>>, vector<128x1024xf32>
      tpu.vector_store %arg5[%swap3A, %swap3A_185], %tanh3A {strides = array<i32>} : memref<2688x1024xf32, #tpu.memory_space<vmem>>, vector<128x1024xf32>,
    }
    return
  }
  func.func @transform_0(%arg0: i32) -> (i32, i32) {
    %c0_i32 = arith.constant 0 : i32
    %c0_i32_0 = arith.constant 0 : i32
    %c0_i32_1 = arith.constant 0 : i32
    return %c0_i32, %c0_i32_0 : i32, i32
  }
  func.func @transform_1(%arg0: i32) -> (i32, i32) {
    %c0_i32 = arith.constant 0 : i32
    %c0_i32_0 = arith.constant 0 : i32
    %c0_i32_1 = arith.constant 0 : i32
    return %c0_i32, %c0_i32_0 : i32, i32
  }
  func.func @transform_2(%arg0: i32) -> (i32, i32) {
    %c0_i32 = arith.constant 0 : i32
    %c0_i32_0 = arith.constant 0 : i32
    %c0_i32_1 = arith.constant 0 : i32
    return %c0_i32, %c0_i32_0 : i32, i32
  }
  func.func @transform_3(%arg0: i32) -> (i32, i32, i32) {
    %c0_i32 = arith.constant 0 : i32
    %c0_i32_0 = arith.constant 0 : i32
    %c0_i32_1 = arith.constant 0 : i32
    return %arg0, %c0_i32, %c0_i32_0 : i32, i32, i32
  }
  func.func @transform_4(%arg0: i32) -> (i32, i32) {
    %c0_i32 = arith.constant 0 : i32
    %c0_i32_0 = arith.constant 0 : i32
    %c0_i32_1 = arith.constant 0 : i32
    return %c0_i32, %c0_i32_0 : i32, i32
  }
}

</mosaic_0001>

<sc_bundles>
// kernel: kernel.6.cloned.1.call-start
scs
__scs_entry_jumppad:
0x0: {  	(pc) =	sbr.rel $0x88, $3  }
0x1: {  	(tag) =	ssettag $0x0;
	lr =	simm.s32 $0x1  }
0x2: {  	[smem:$0x3F9D] =	sst lr;
	_ =	strace $0xD0000000  }
0x3: {  	_ = 	snop  }
0x4: {  	_ = 	snop  }
0x5: {  	_ = 	snop  }
0x6: {  	_ = 	snop  }
0x7: {  	_ = 	snop  }
__scs_overlays_trampoline_lowered:
0x8: {  	[smem:$0x3FAC] =	sst s0  }
0x9: {  	[smem:$0x3FAD] =	sst s1  }
0xa: {  	[smem:$0x3FAE] =	sst s2  }
0xb: {  	[smem:$0x3FAF] =	sst s3  }
0xc: {  	[smem:$0x3FB0] =	sst s4  }
0xd: {  	[smem:$0x3FB1] =	sst s5  }
0xe: {  	[smem:$0x3FB2] =	sst s6  }
0xf: {  	[smem:$0x3FB3] =	sst s7  }
0x10: {  	[smem:$0x3FB4] =	sst s8  }
0x11: {  	[smem:$0x3FB5] =	sst s9;
	s0 =	simm.s32 @!p0 $0x0  }
0x12: {  	s1 =	sld [smem:$0x3F9B];
	s0 =	simm.s32 @p0 $0x1  }
0x13: {  	[smem:$0x3FB6] =	sst s0;
	s0 =	simm.s32 @!p1 $0x0  }
0x14: {  	s2 =	sld [smem:$0x3F9A];
	s0 =	simm.s32 @p1 $0x1  }
0x15: {  	[smem:$0x3FB7] =	sst s0;
	s0 =	simm.s32 @!p2 $0x0  }
0x16: {  	s3 =	sld [smem:$0x3FDB];
	s0 =	simm.s32 @p2 $0x1  }
0x17: {  	s4 =	simm.s32 $0x1BF5;
	[smem:$0x3FB9] =	sst s0  }
0x18: {  	s0 =	sld [smem:$0x3F9C];
	_ =	swait.ge [sflag:s4], $0x0  }
0x19: {  	s7 =	sld [smem:$0x3F9D]  }
0x1a: {  	s8 =	sadd.s32 $0xFFFFE003, lr  }
0x1b: {  	s9 =	sadd.s32 $0xFFFFFEF7, lr;
	s5 =	simm.s32 $0xFFFFFFFF;
	p2 =	slt.u32 s8, $0xFFFFF086  }
0x1c: {  	p1 =	slt.u32 s9, $0xF7A;
	s5 =	simm.s32 @!p2 $0x0  }
0x1d: {  	s5 =	simm.s32 @p1 $0x1;
	p0 =	seq.s32 s7, s2  }
0x1e: {  	s7 =	smul.u32 @!p0 $0xF7A, s2;
	p2 =	seq.s32 @!p0 s5, $0x0  }
0x1f: {  	s9 =	smul.u32 $0xF7A, s1;
	s8 =	simm.s32 @!p0 $0x1BF5;
	p2 =	por !p2, p0  }
0x20: {  	[sflag:s8] =	ssyncset.s32 @!p0 $0xFFFFF086;
	s6 =	sadd.s32 @!p0 s3, s7;
	s7 =	simm.s32 @!p0 $0x108  }
0x21: {  	s3 =	sadd.s32 s3, s9;
	s6 =	sadd.s32 @!p0 $0x88, s6;
	s7 =	simm.s32 @p2 $0x1082  }
0x22: {  	[simem:s7], [sflag:s8] =	dma.local @!p0 [hbm:s6], $0xF7A  }
0x23: {  	s9 =	sor.u32 $0xD0000000, s2;
	s6 =	simm.s32 $0x108;
	_ =	swait.ge @!p0 [sflag:s8], $0x0  }
0x24: {  	s3 =	sadd.s32 $0x88, s3;
	s6 =	simm.s32 @!p1 $0x1082;
	[sflag:s4] =	ssyncset.s32 $0xFFFFF086  }
0x25: {  	[simem:s6], [sflag:s4] =	dma.local [hbm:s3], $0xF7A  }
0x26: {  	[smem:$0x3F9D] =	sst s1;
	(tag) =	ssettag s2;
	_ =	strace s9  }
0x27: {  	s1 =	sld [smem:$0x3FAD]  }
0x28: {  	s2 =	sld [smem:$0x3FAE]  }
0x29: {  	s4 =	sld [smem:$0x3FB0]  }
0x2a: {  	p0 =	seq.s32 s5, $0x0;
	s5 =	sld [smem:$0x3FB1]  }
0x2b: {  	s6 =	sld [smem:$0x3FB2]  }
0x2c: {  	s7 =	sld [smem:$0x3FB3]  }
0x2d: {  	s3 =	simm.s32 $0x108;
	s8 =	sld [smem:$0x3FB4]  }
0x2e: {  	s3 =	simm.s32 @!p0 $0x1082;
	s9 =	sld [smem:$0x3FB5]  }
0x2f: {  	lr =	sadd.s32 s0, s3;
	s0 =	sld [smem:$0x3FAC]  }
0x30: {  	s3 =	sld [smem:$0x3FAF]  }
0x31: {  	[smem:$0x3FB8] =	sst s10  }
0x32: {  	s10 =	sld [smem:$0x3FB6];
	_ =	sdelay $0x3  }
0x33: {  	p0 =	seq.s32 s10, $0x1;
	s10 =	sld [smem:$0x3FB8];
	_ =	sdelay $0x3  }
0x34: {  	[smem:$0x3FB8] =	sst s10  }
0x35: {  	s10 =	sld [smem:$0x3FB7];
	_ =	sdelay $0x3  }
0x36: {  	p1 =	seq.s32 s10, $0x1;
	s10 =	sld [smem:$0x3FB8];
	_ =	sdelay $0x3  }
0x37: {  	[smem:$0x3FB8] =	sst s10  }
0x38: {  	s10 =	sld [smem:$0x3FB9]  }
0x39: {  	_ = 	snop;
	(pc) =	sbr.ind lr, $3  }
0x3a: {  	_ = 	snop  }
0x3b: {  	_ = 	snop  }
0x3c: {  	p2 =	seq.s32 s10, $0x1;
	s10 =	sld [smem:$0x3FB8]  }
0x3d: {  	_ =	shalt  }
0x3e: {  	_ =	shalt  }
0x3f: {  	_ =	shalt  }
0x40: {  	_ =	shalt  }
0x41: {  	_ =	shalt  }
0x42: {  	_ =	shalt  }
0x43: {  	_ =	shalt  }
0x44: {  	_ =	shalt  }
0x45: {  	_ =	shalt  }
0x46: {  	_ =	shalt  }
0x47: {  	_ =	shalt  }
0x48: {  	_ =	shalt  }
0x49: {  	_ =	shalt  }
0x4a: {  	_ =	shalt  }
0x4b: {  	_ =	shalt  }
0x4c: {  	_ =	shalt  }
0x4d: {  	_ =	shalt  }
0x4e: {  	_ =	shalt  }
0x4f: {  	_ =	shalt  }
0x50: {  	_ =	shalt  }
0x51: {  	_ =	shalt  }
0x52: {  	_ =	shalt  }
0x53: {  	_ =	shalt  }
0x54: {  	_ =	shalt  }
0x55: {  	_ =	shalt  }
0x56: {  	_ =	shalt  }
0x57: {  	_ =	shalt  }
0x58: {  	_ =	shalt  }
0x59: {  	_ =	shalt  }
0x5a: {  	_ =	shalt  }
0x5b: {  	_ =	shalt  }
0x5c: {  	_ =	shalt  }
0x5d: {  	_ =	shalt  }
0x5e: {  	_ =	shalt  }
0x5f: {  	_ =	shalt  }
0x60: {  	_ =	shalt  }
0x61: {  	_ =	shalt  }
0x62: {  	_ =	shalt  }
0x63: {  	_ =	shalt  }
0x64: {  	_ =	shalt  }
0x65: {  	_ =	shalt  }
0x66: {  	_ =	shalt  }
0x67: {  	_ =	shalt  }
0x68: {  	_ =	shalt  }
0x69: {  	_ =	shalt  }
0x6a: {  	_ =	shalt  }
0x6b: {  	_ =	shalt  }
0x6c: {  	_ =	shalt  }
0x6d: {  	_ =	shalt  }
0x6e: {  	_ =	shalt  }
0x6f: {  	_ =	shalt  }
0x70: {  	_ =	shalt  }
0x71: {  	_ =	shalt  }
0x72: {  	_ =	shalt  }
0x73: {  	_ =	shalt  }
0x74: {  	_ =	shalt  }
0x75: {  	_ =	shalt  }
0x76: {  	_ =	shalt  }
0x77: {  	_ =	shalt  }
0x78: {  	_ =	shalt  }
0x79: {  	_ =	shalt  }
0x7a: {  	_ =	shalt  }
0x7b: {  	_ =	shalt  }
0x7c: {  	_ =	shalt  }
0x7d: {  	_ =	shalt  }
0x7e: {  	_ =	shalt  }
0x7f: {  	_ =	shalt  }
0x80: {  	_ =	shalt  }
0x81: {  	_ =	shalt  }
0x82: {  	_ =	shalt  }
0x83: {  	_ =	shalt  }
0x84: {  	_ =	shalt  }
0x85: {  	_ =	shalt  }
0x86: {  	_ =	shalt  }
0x87: {  	_ =	shalt  }
.Lfunc_end0:
.L_simem_size_0:
called_computation_lowered:
.L_overlay_start_0:
0x88: {  	s2 =	sld [smem:$0x3FD9]  }
0x89: {  	s3 =	sld [smem:$0x3FFE];
	_ =	sdelay $0x1  }
0x8a: {  	s1 =	srdreg.scid  }
0x8b: {  	s0 =	sand.u32 $0x1, s1  }
0x8c: {  	s17 =	sshll.u32 s0, $0xA;
	s2 =	sadd.s32 s3, s2  }
0x8d: {  	s2 =	sadd.s32 s2, s17  }
0x8e: {  	[smem:$0x3FC4] =	sst s2  }
0x8f: {  	_ = 	snop  }
0x90: {  	s2 =	sld [smem:$0x3FC9];
	(tm) =	ssettm $0x1  }
0x91: {  	s18 =	sld [smem:$0x3FFB];
	_ =	sdelay $0x3  }
0x92: {  	_ =	strace s18  }
0x93: {  	s3 =	sld [smem:$0x3FFC];
	_ =	sdelay $0x3  }
0x94: {  	_ =	strace s3  }
0x95: {  	s3 =	sld [smem:$0x3FFD];
	_ =	sdelay $0x3  }
0x96: {  	_ =	strace s3  }
0x97: {  	_ =	strace $0x8FFFFFFF  }
0x98: {  	s19 =	sld [smem:$0x3FDB];
	_ =	sdelay $0x1  }
0x99: {  	s4 =	simm.s32 $_scs_section_size  }
0x9a: {  	s5 =	simm.s32 $_size__tile_overlayer_lowered;
	s6 =	simm.s32 $_tile_overlayer_lowered  }
0x9b: {  	s22 =	simm.s32 $0x1BFF;
	s21 =	sshll.u32 s6, $0x1;
	s3 =	sadd.s32 s4, s19  }
0x9c: {  	s7 =	simm.s32 $0x0;
	s20 =	sshll.u32 s5, $0x1;
	s5 =	sadd.s32 s21, s3  }
0x9d: {  	[timem:s7], [sflag:s22] =	dma.local [hbm:s5], s20  }
0x9e: {  	_ =	swait.ge [sflag:s22], s20  }
0x9f: {  	s4 =	ssub.s32 $0x0, s20;
	[sflag:s22] =	ssyncset.done $0x0  }
0xa0: {  	[sflag:s22] =	ssyncadd.s32 s4;
	_ =	sdelay $0x1  }
0xa1: {  	s23 =	simm.s32 $0x1B8B  }
0xa2: {  	_ =	swait.ge [sflag:s23], $0x1  }
0xa3: {  	[sflag:s23] =	ssyncset.done $0x0  }
0xa4: {  	s25 =	simm.s32 $0x1B8E;
	s24 =	sld [smem:$0x3FFE];
	[sflag:s23] =	ssyncadd.s32 $0xFFFFFFFF  }
0xa5: {  	s26 =	simm.s32 $execute0_lowered;
	[smem:$0x3FD2] =	sst s25  }
0xa6: {  	s5 =	sshll.u32 s26, $0x1;
	_ =	strace $0x80000046;
	[dreg:$0x1] =	wrdreg $0xFFFFFFFF  }
0xa7: {  	s28 =	simm.s32 $_size_execute0_lowered;
	s3 =	sadd.s32 s3, s5;
	[dreg:$0x0] =	wrdreg $0x0  }
0xa8: {  	s5 =	sshll.u32 s28, $0x1;
	[dreg:$0x2] =	wrdreg s3  }
0xa9: {  	[dreg:$0x3] =	wrdreg s5  }
0xaa: {  	[dreg:$0x4] =	wrdreg $0xC0  }
0xab: {  	_ =	task [dreg:s7], $0x5FFFF  }
0xac: {  	[dreg:$0x1] =	wrdreg $0xFFFFFFFF  }
0xad: {  	[dreg:$0x0] =	wrdreg $0x60  }
0xae: {  	[dreg:$0x2] =	wrdreg s2  }
0xaf: {  	[dreg:$0x3] =	wrdreg s24  }
0xb0: {  	[dreg:$0x4] =	wrdreg $0x9  }
0xb1: {  	_ =	task.clear_ibuf [dreg:s7], $0x5FFFF;
	_ =	strace $0x90000046  }
0xb2: {  	s29 =	simm.s32 $0x9;
	_ =	strace $0x80000048  }
0xb3: {  	_ =	swait.ge [sflag:s29], $0x1  }
0xb4: {  	[sflag:s29] =	ssyncadd.s32 $0xFFFFFFFF  }
0xb5: {  	_ =	strace $0x90000048  }
0xb6: {  	_ =	sfence  }
0xb7: {  	s30 =	sld [smem:$0x0];
	_ =	sdelay $0x2  }
0xb8: {  	s31 =	sshll.u32 s1, $0xD;
	s1 =	sshrl.u32 s1, $0x2  }
0xb9: {  	s3 =	sand.u32 $0x4000, s31;
	s1 =	sadd.s32 s1, s30  }
0xba: {  	s0 =	sor.u32 s3, s0;
	s1 =	sshll.u32 s1, $0x11  }
0xbb: {  	s0 =	sor.u32 s1, s0  }
0xbc: {  	s0 =	sadd.s32 $0x8F2B, s0  }
0xbd: {  	[sflag:s0] =	ssyncadd.remote.s32 $0x1  }
0xbe: {  	_ =	sfence.sel $0xFFFF  }
0xbf: {  	[dreg:$0x0] =	wrdreg $0xFFFFFFFF;
	(pc) =	sbr.abs _section_cstart, $3  }
0xc0: {  	[dreg:$0x1] =	wrdreg $0xFFFFFFFF  }
0xc1: {  	_ =	task.clear_ibuf [dreg:s7], $0x2FFFF;
	_ =	strace $0x9FFFFFFF  }
0xc2: {  	(tm) =	ssettm $0x7FFFFFFF  }
0xc3: {  	_ =	shalt  }
tec
execute0_lowered:
.L_overlay_start_1:
0x0: {  	(tag) =	ssettag $0x1  }
0x1: {  	s1 =	srdreg.scid  }
0x2: {  	s0 =	stileid.u32;
	s3 =	rddreg [dreg:$0x0]  }
0x3: {  	s6 =	rddreg [dreg:$0x1];
	s18 =	simm.s32 $0x880;
	s19 =	simm.s32 $0x1080  }
0x4: {  	s20 =	simm.s32 $0x1880;
	s22 =	simm.s32 $0x2080;
	s23 =	simm.s32 $0x2880  }
0x5: {  	s7 =	simm.s32 $0x3080;
	s24 =	simm.s32 $0x3880;
	s8 =	simm.s32 $0x4080  }
0x6: {  	s25 =	simm.s32 $0x4880;
	s26 =	simm.s32 $0x5080;
	s1 =	sand.u32 $0x1, s1  }
0x7: {  	s9 =	simm.s32 $0x80;
	s2 =	sshll.u32 s0, $0x7;
	s4 =	sshll.u32 s1, $0x6  }
0x8: {  	s11 =	simm.s32 $0x6080;
	s4 =	sor.u32 s4, s2;
	s2 =	simm.s32 $0x0  }
0x9: {  	s12 =	simm.s32 $0x6880;
	s13 =	simm.s32 $0x7080;
	[smem:$0x7FF] =	sst s2  }
0xa: {  	s14 =	simm.s32 $0x7880;
	_ =	strace $0x80000047;
	[dreg:$0x5] =	wrdreg s18  }
0xb: {  	s15 =	simm.s32 $0x8080;
	s16 =	simm.s32 $0x8880;
	[dreg:$0x6] =	wrdreg s19  }
0xc: {  	s17 =	simm.s32 $0x9080;
	s28 =	simm.s32 $0xE080;
	[dreg:$0x7] =	wrdreg s20  }
0xd: {  	s29 =	simm.s32 $0xE880;
	s30 =	simm.s32 $0xF080;
	[dreg:$0x8] =	wrdreg s22  }
0xe: {  	s31 =	simm.s32 $0xF880;
	s1 =	ssub.s32 $0x2, s1;
	[dreg:$0x9] =	wrdreg s23  }
0xf: {  	s21 =	sshrl.u32 s1, $0x1;
	s5 =	sshrl.u32 s4, $0x3;
	[dreg:$0xa] =	wrdreg s7  }
0x10: {  	s4 =	sshll.u32 s4, $0x7;
	s1 =	ssub.s32 s1, s21;
	[dreg:$0xb] =	wrdreg s24  }
0x11: {  	s21 =	simm.s32 $0xB080;
	s5 =	sadd.s32 s5, s6;
	[dreg:$0xc] =	wrdreg s8  }
0x12: {  	s3 =	sadd.s32 s3, s4;
	s4 =	sadd.s32 $0x1700, s6;
	[dreg:$0xd] =	wrdreg s25  }
0x13: {  	s7 =	smax.u32 s1, $0x1;
	s8 =	simm.s32 $0x2;
	[dreg:$0xe] =	wrdreg s26  }
0x14: {  	s18 =	simm.s32 $0x9880;
	s19 =	simm.s32 $0xA080;
	s20 =	simm.s32 $0xA880  }
0x15: {  	s22 =	simm.s32 $0xB880;
	s23 =	simm.s32 $0xC080;
	s24 =	simm.s32 $0xC880  }
0x16: {  	v2 =	vlaneseq.u32;
	s25 =	simm.s32 $0xD080;
	s26 =	simm.s32 $0xD880;
	s1 =	simm.s32 $0x1  }
0x17: {  	vm0 =	vmmov $0xffff;
	v1 =	vshrl.u32 v2, $0x3;
	s5 =	sadd.s32 $0x1400, s5;
	[dreg:$0x4] =	wrdreg s3;
	s3 =	sadd.s32 $0x1600, s6  }
0x18: {  	v0 =	vand.u32 $0x7, v2;
	v2 =	vor.u32 $0x8, v2;
	v1 =	vmul.u32 $0x8, v1;
	[dreg:$0x3] =	wrdreg s5;
	s5 =	sadd.s32 $0x1800, s6;
	s6 =	sadd.s32 $0x1900, s6  }
.LBB2_1:
0x19: {  	s0 =	rddreg [dreg:$0x3]  }
0x1a: {  	[tilespmem:s2], [sflag:$0x2] =	stream.linear.gather [hbm4b:s0+s2], $0x40, $0x38;
	[tilespmem:$0x10080] =	vst v63  }
0x1b: {  	_ =	swait.ge [sflag:s8], $0x40  }
0x1c: {  	[sflag:s8] =	ssyncset.done $0x0  }
0x1d: {  	s10 =	rddreg [dreg:$0x4];
	[sflag:s8] =	ssyncadd.s32 $0xFFFFFFC0  }
0x1e: {  	[tilespmem:s9], [sflag:$0x2] =	stream.linear.gather [hbm4b:s10+s2], $0x10000, $0x38;
	[tilespmem:$0x10080] =	vst v63  }
0x1f: {  	_ =	swait.ge [sflag:s8], $0x10000  }
0x20: {  	[sflag:s8] =	ssyncset.done $0x0  }
0x21: {  	[sflag:s8] =	ssyncadd.s32 $0xFFFF0000  }
0x22: {  	v3 =	vld [tilespmem:$0x0];
	_ =	sdelay $0x4  }
0x23: {  	v4 =	vshll.u32 v3, $0x3  }
0x24: {  	v3 =	vand.u32 $0x7, v3;
	v4 =	vand.u32 $0xFFFFFFC0, v4  }
0x25: {  	v3 =	vor.u32 v3, v4  }
0x26: {  	v4 =	vperm.xlane v3, v0;
	_ =	sdelay $0x1  }
0x27: {  	v4 =	vadd.s32 v1, v4;
	_ =	sdelay $0x4  }
0x28: {  	[hbm4b:s3+s2] =	stream.indirect_vreg.scatter [tilespmem:s9], [sflag:$0x1], $0x80, v4, vm0, $0xb8;
	[tilespmem:$0x10080] =	vst v63  }
0x29: {  	s0 =	rddreg [dreg:$0x5];
	v3 =	vperm.xlane v3, v2  }
0x2a: {  	[hbm4b:s4+s2] =	stream.indirect_vreg.scatter [tilespmem:s0], [sflag:$0x1], $0x80, v4, vm0, $0xb8;
	[tilespmem:$0x10080] =	vst v63  }
0x2b: {  	s10 =	rddreg [dreg:$0x6];
	v3 =	vadd.s32 v1, v3  }
0x2c: {  	[hbm4b:s5+s2] =	stream.indirect_vreg.scatter [tilespmem:s10], [sflag:$0x1], $0x80, v4, vm0, $0xb8;
	[tilespmem:$0x10080] =	vst v63  }
0x2d: {  	s0 =	rddreg [dreg:$0x7]  }
0x2e: {  	[hbm4b:s6+s2] =	stream.indirect_vreg.scatter [tilespmem:s0], [sflag:$0x1], $0x80, v4, vm0, $0xb8;
	[tilespmem:$0x10080] =	vst v63  }
0x2f: {  	s10 =	rddreg [dreg:$0x8]  }
0x30: {  	[hbm4b:s3+s2] =	stream.indirect_vreg.scatter [tilespmem:s10], [sflag:$0x1], $0x80, v3, vm0, $0xb8;
	[tilespmem:$0x10080] =	vst v63  }
0x31: {  	s0 =	rddreg [dreg:$0x9]  }
0x32: {  	[hbm4b:s4+s2] =	stream.indirect_vreg.scatter [tilespmem:s0], [sflag:$0x1], $0x80, v3, vm0, $0xb8;
	[tilespmem:$0x10080] =	vst v63  }
0x33: {  	s10 =	rddreg [dreg:$0xa]  }
0x34: {  	[hbm4b:s5+s2] =	stream.indirect_vreg.scatter [tilespmem:s10], [sflag:$0x1], $0x80, v3, vm0, $0xb8;
	[tilespmem:$0x10080] =	vst v63  }
0x35: {  	s0 =	rddreg [dreg:$0xb]  }
0x36: {  	[hbm4b:s6+s2] =	stream.indirect_vreg.scatter [tilespmem:s0], [sflag:$0x1], $0x80, v3, vm0, $0xb8;
	[tilespmem:$0x10080] =	vst v63  }
0x37: {  	v3 =	vld [tilespmem:$0x10];
	_ =	sdelay $0x4  }
0x38: {  	v61 =	vshll.u32 v3, $0x3  }
0x39: {  	v3 =	vand.u32 $0x7, v3;
	v4 =	vand.u32 $0xFFFFFFC0, v61  }
0x3a: {  	v3 =	vor.u32 v3, v4  }
0x3b: {  	v4 =	vperm.xlane v3, v0;
	_ =	sdelay $0x1  }
0x3c: {  	v4 =	vadd.s32 v1, v4;
	_ =	sdelay $0x3  }
0x3d: {  	s0 =	rddreg [dreg:$0xc]  }
0x3e: {  	[hbm4b:s3+s2] =	stream.indirect_vreg.scatter [tilespmem:s0], [sflag:$0x1], $0x80, v4, vm0, $0xb8;
	[tilespmem:$0x10080] =	vst v63  }
0x3f: {  	s10 =	rddreg [dreg:$0xd];
	v3 =	vperm.xlane v3, v2  }
0x40: {  	[hbm4b:s4+s2] =	stream.indirect_vreg.scatter [tilespmem:s10], [sflag:$0x1], $0x80, v4, vm0, $0xb8;
	[tilespmem:$0x10080] =	vst v63  }
0x41: {  	v3 =	vadd.s32 v1, v3;
	s0 =	rddreg [dreg:$0xe]  }
0x42: {  	[hbm4b:s5+s2] =	stream.indirect_vreg.scatter [tilespmem:s0], [sflag:$0x1], $0x80, v4, vm0, $0xb8;
	[tilespmem:$0x10080] =	vst v63  }
0x43: {  	s10 =	simm.s32 $0x5880  }
0x44: {  	[hbm4b:s6+s2] =	stream.indirect_vreg.scatter [tilespmem:s10], [sflag:$0x1], $0x80, v4, vm0, $0xb8;
	[tilespmem:$0x10080] =	vst v63  }
0x45: {  	_ = 	snop  }
0x46: {  	[hbm4b:s3+s2] =	stream.indirect_vreg.scatter [tilespmem:s11], [sflag:$0x1], $0x80, v3, vm0, $0xb8;
	[tilespmem:$0x10080] =	vst v63  }
0x47: {  	_ = 	snop  }
0x48: {  	[hbm4b:s4+s2] =	stream.indirect_vreg.scatter [tilespmem:s12], [sflag:$0x1], $0x80, v3, vm0, $0xb8;
	[tilespmem:$0x10080] =	vst v63  }
0x49: {  	_ = 	snop  }
0x4a: {  	[hbm4b:s5+s2] =	stream.indirect_vreg.scatter [tilespmem:s13], [sflag:$0x1], $0x80, v3, vm0, $0xb8;
	[tilespmem:$0x10080] =	vst v63  }
0x4b: {  	_ = 	snop  }
0x4c: {  	[hbm4b:s6+s2] =	stream.indirect_vreg.scatter [tilespmem:s14], [sflag:$0x1], $0x80, v3, vm0, $0xb8;
	[tilespmem:$0x10080] =	vst v63  }
0x4d: {  	v3 =	vld [tilespmem:$0x20];
	_ =	sdelay $0x4  }
0x4e: {  	v62 =	vshll.u32 v3, $0x3  }
0x4f: {  	v3 =	vand.u32 $0x7, v3;
	v4 =	vand.u32 $0xFFFFFFC0, v62  }
0x50: {  	v3 =	vor.u32 v3, v4  }
0x51: {  	v4 =	vperm.xlane v3, v0;
	_ =	sdelay $0x1  }
0x52: {  	v4 =	vadd.s32 v1, v4;
	_ =	sdelay $0x4  }
0x53: {  	[hbm4b:s3+s2] =	stream.indirect_vreg.scatter [tilespmem:s15], [sflag:$0x1], $0x80, v4, vm0, $0xb8;
	[tilespmem:$0x10080] =	vst v63  }
0x54: {  	v3 =	vperm.xlane v3, v2  }
0x55: {  	[hbm4b:s4+s2] =	stream.indirect_vreg.scatter [tilespmem:s16], [sflag:$0x1], $0x80, v4, vm0, $0xb8;
	[tilespmem:$0x10080] =	vst v63  }
0x56: {  	v3 =	vadd.s32 v1, v3  }
0x57: {  	[hbm4b:s5+s2] =	stream.indirect_vreg.scatter [tilespmem:s17], [sflag:$0x1], $0x80, v4, vm0, $0xb8;
	[tilespmem:$0x10080] =	vst v63  }
0x58: {  	_ = 	snop  }
0x59: {  	[hbm4b:s6+s2] =	stream.indirect_vreg.scatter [tilespmem:s18], [sflag:$0x1], $0x80, v4, vm0, $0xb8;
	[tilespmem:$0x10080] =	vst v63  }
0x5a: {  	_ = 	snop  }
0x5b: {  	[hbm4b:s3+s2] =	stream.indirect_vreg.scatter [tilespmem:s19], [sflag:$0x1], $0x80, v3, vm0, $0xb8;
	[tilespmem:$0x10080] =	vst v63  }
0x5c: {  	_ = 	snop  }
0x5d: {  	[hbm4b:s4+s2] =	stream.indirect_vreg.scatter [tilespmem:s20], [sflag:$0x1], $0x80, v3, vm0, $0xb8;
	[tilespmem:$0x10080] =	vst v63  }
0x5e: {  	_ = 	snop  }
0x5f: {  	[hbm4b:s5+s2] =	stream.indirect_vreg.scatter [tilespmem:s21], [sflag:$0x1], $0x80, v3, vm0, $0xb8;
	[tilespmem:$0x10080] =	vst v63  }
0x60: {  	_ = 	snop  }
0x61: {  	[hbm4b:s6+s2] =	stream.indirect_vreg.scatter [tilespmem:s22], [sflag:$0x1], $0x80, v3, vm0, $0xb8;
	[tilespmem:$0x10080] =	vst v63  }
0x62: {  	v3 =	vld [tilespmem:$0x30];
	_ =	sdelay $0x4  }
0x63: {  	v63 =	vshll.u32 v3, $0x3  }
0x64: {  	v3 =	vand.u32 $0x7, v3;
	v4 =	vand.u32 $0xFFFFFFC0, v63  }
0x65: {  	v3 =	vor.u32 v3, v4  }
0x66: {  	v4 =	vperm.xlane v3, v0;
	_ =	sdelay $0x1  }
0x67: {  	v4 =	vadd.s32 v1, v4;
	_ =	sdelay $0x4  }
0x68: {  	[hbm4b:s3+s2] =	stream.indirect_vreg.scatter [tilespmem:s23], [sflag:$0x1], $0x80, v4, vm0, $0xb8;
	[tilespmem:$0x10080] =	vst v63  }
0x69: {  	v3 =	vperm.xlane v3, v2  }
0x6a: {  	[hbm4b:s4+s2] =	stream.indirect_vreg.scatter [tilespmem:s24], [sflag:$0x1], $0x80, v4, vm0, $0xb8;
	[tilespmem:$0x10080] =	vst v63  }
0x6b: {  	v3 =	vadd.s32 v1, v3  }
0x6c: {  	[hbm4b:s5+s2] =	stream.indirect_vreg.scatter [tilespmem:s25], [sflag:$0x1], $0x80, v4, vm0, $0xb8;
	[tilespmem:$0x10080] =	vst v63  }
0x6d: {  	_ = 	snop  }
0x6e: {  	[hbm4b:s6+s2] =	stream.indirect_vreg.scatter [tilespmem:s26], [sflag:$0x1], $0x80, v4, vm0, $0xb8;
	[tilespmem:$0x10080] =	vst v63  }
0x6f: {  	_ = 	snop  }
0x70: {  	[hbm4b:s3+s2] =	stream.indirect_vreg.scatter [tilespmem:s28], [sflag:$0x1], $0x80, v3, vm0, $0xb8;
	[tilespmem:$0x10080] =	vst v63  }
0x71: {  	_ = 	snop  }
0x72: {  	[hbm4b:s4+s2] =	stream.indirect_vreg.scatter [tilespmem:s29], [sflag:$0x1], $0x80, v3, vm0, $0xb8;
	[tilespmem:$0x10080] =	vst v63  }
0x73: {  	p0 =	sne.s32 s7, $0x1  }
0x74: {  	[hbm4b:s5+s2] =	stream.indirect_vreg.scatter [tilespmem:s30], [sflag:$0x1], $0x80, v3, vm0, $0xb8;
	[tilespmem:$0x10080] =	vst v63  }
.Ltmp0:
0x75: {  	_ = 	snop;
	(pc) =	sbr.rel @p0 .LBB2_1-.Ltmp0, $4  }
0x76: {  	[hbm4b:s6+s2] =	stream.indirect_vreg.scatter [tilespmem:s31], [sflag:$0x1], $0x80, v3, vm0, $0xb8;
	[tilespmem:$0x10080] =	vst v63  }
0x77: {  	_ =	swait.ge [sflag:s1], $0x10000  }
0x78: {  	[sflag:s1] =	ssyncset.done $0x0  }
0x79: {  	s7 =	sadd.s32 $0xFFFFFFFF, s7;
	[sflag:s1] =	ssyncadd.s32 $0xFFFF0000  }
0x7a: {  	_ =	sfence.sel $0x180000  }
0x7b: {  	[bflag:$0x0] =	sbarrier.arrive $0xFFFF  }
0x7c: {  	_ =	strace $0x90000047  }
0x7d: {  	s0 =	stileid.u32;
	[bflag:$0x2] =	sbarrier.arrive $0xFFFF  }
0x7e: {  	p0 =	sne.s32 s0, $0x0;
	s0 =	rddreg [dreg:$0x2]  }
0x7f: {  	s0 =	sadd.s32 @!p0 $0x100000, s0  }
0x80: {  	[sflag:s0] =	ssyncadd.tile.s32 @!p0 $0x1;
	_ =	shalt  }
.Lfunc_end2:
_tile_overlayer_lowered:
.L_overlay_start_2:
0x81: {  	(tag) =	ssettag $0x2  }
0x82: {  	s0 =	rddreg [dreg:$0x0];
	s2 =	stileid.u32  }
0x83: {  	s1 =	rddreg [dreg:$0x1];
	p0 =	sne.s32 s2, $0x0  }
0x84: {  	s3 =	rddreg [dreg:$0x2];
	[bflag:$0x3] =	sbarrier.arrive $0xFFFF;
	s2 =	simm.s32 @!p0 $0x1C02  }
0x85: {  	[timem:s3], [sflag:s2] =	dma.local @!p0 [hbm:s0], s1  }
0x86: {  	s0 =	simm.s32 @!p0 $0x2  }
0x87: {  	_ =	swait.ge @!p0 [sflag:s0], s1  }
0x88: {  	s1 =	ssub.s32 @!p0 $0x0, s1;
	[sflag:s0] =	ssyncset.done @!p0 $0x0  }
0x89: {  	[sflag:s0] =	ssyncadd.s32 @!p0 s1  }
0x8a: {  	[bflag:$0x3] =	sbarrier.arrive $0xFFFF  }
0x8b: {  	_ =	shalt  }

// kernel: kernel.9.cloned.1.call-start
scs
__scs_entry_jumppad:
0x0: {  	(pc) =	sbr.rel $0x88, $3  }
0x1: {  	(tag) =	ssettag $0x0;
	lr =	simm.s32 $0x1  }
0x2: {  	[smem:$0x3F9D] =	sst lr;
	_ =	strace $0xD0000000  }
0x3: {  	_ = 	snop  }
0x4: {  	_ = 	snop  }
0x5: {  	_ = 	snop  }
0x6: {  	_ = 	snop  }
0x7: {  	_ = 	snop  }
__scs_overlays_trampoline_lowered:
0x8: {  	[smem:$0x3FAC] =	sst s0  }
0x9: {  	[smem:$0x3FAD] =	sst s1  }
0xa: {  	[smem:$0x3FAE] =	sst s2  }
0xb: {  	[smem:$0x3FAF] =	sst s3  }
0xc: {  	[smem:$0x3FB0] =	sst s4  }
0xd: {  	[smem:$0x3FB1] =	sst s5  }
0xe: {  	[smem:$0x3FB2] =	sst s6  }
0xf: {  	[smem:$0x3FB3] =	sst s7  }
0x10: {  	[smem:$0x3FB4] =	sst s8  }
0x11: {  	[smem:$0x3FB5] =	sst s9;
	s0 =	simm.s32 @!p0 $0x0  }
0x12: {  	s1 =	sld [smem:$0x3F9B];
	s0 =	simm.s32 @p0 $0x1  }
0x13: {  	[smem:$0x3FB6] =	sst s0;
	s0 =	simm.s32 @!p1 $0x0  }
0x14: {  	s2 =	sld [smem:$0x3F9A];
	s0 =	simm.s32 @p1 $0x1  }
0x15: {  	[smem:$0x3FB7] =	sst s0;
	s0 =	simm.s32 @!p2 $0x0  }
0x16: {  	s3 =	sld [smem:$0x3FDB];
	s0 =	simm.s32 @p2 $0x1  }
0x17: {  	s4 =	simm.s32 $0x1BF5;
	[smem:$0x3FB9] =	sst s0  }
0x18: {  	s0 =	sld [smem:$0x3F9C];
	_ =	swait.ge [sflag:s4], $0x0  }
0x19: {  	s7 =	sld [smem:$0x3F9D]  }
0x1a: {  	s8 =	sadd.s32 $0xFFFFE003, lr  }
0x1b: {  	s9 =	sadd.s32 $0xFFFFFEF7, lr;
	s5 =	simm.s32 $0xFFFFFFFF;
	p2 =	slt.u32 s8, $0xFFFFF086  }
0x1c: {  	p1 =	slt.u32 s9, $0xF7A;
	s5 =	simm.s32 @!p2 $0x0  }
0x1d: {  	s5 =	simm.s32 @p1 $0x1;
	p0 =	seq.s32 s7, s2  }
0x1e: {  	s7 =	smul.u32 @!p0 $0xF7A, s2;
	p2 =	seq.s32 @!p0 s5, $0x0  }
0x1f: {  	s9 =	smul.u32 $0xF7A, s1;
	s8 =	simm.s32 @!p0 $0x1BF5;
	p2 =	por !p2, p0  }
0x20: {  	[sflag:s8] =	ssyncset.s32 @!p0 $0xFFFFF086;
	s6 =	sadd.s32 @!p0 s3, s7;
	s7 =	simm.s32 @!p0 $0x108  }
0x21: {  	s3 =	sadd.s32 s3, s9;
	s6 =	sadd.s32 @!p0 $0x88, s6;
	s7 =	simm.s32 @p2 $0x1082  }
0x22: {  	[simem:s7], [sflag:s8] =	dma.local @!p0 [hbm:s6], $0xF7A  }
0x23: {  	s9 =	sor.u32 $0xD0000000, s2;
	s6 =	simm.s32 $0x108;
	_ =	swait.ge @!p0 [sflag:s8], $0x0  }
0x24: {  	s3 =	sadd.s32 $0x88, s3;
	s6 =	simm.s32 @!p1 $0x1082;
	[sflag:s4] =	ssyncset.s32 $0xFFFFF086  }
0x25: {  	[simem:s6], [sflag:s4] =	dma.local [hbm:s3], $0xF7A  }
0x26: {  	[smem:$0x3F9D] =	sst s1;
	(tag) =	ssettag s2;
	_ =	strace s9  }
0x27: {  	s1 =	sld [smem:$0x3FAD]  }
0x28: {  	s2 =	sld [smem:$0x3FAE]  }
0x29: {  	s4 =	sld [smem:$0x3FB0]  }
0x2a: {  	p0 =	seq.s32 s5, $0x0;
	s5 =	sld [smem:$0x3FB1]  }
0x2b: {  	s6 =	sld [smem:$0x3FB2]  }
0x2c: {  	s7 =	sld [smem:$0x3FB3]  }
0x2d: {  	s3 =	simm.s32 $0x108;
	s8 =	sld [smem:$0x3FB4]  }
0x2e: {  	s3 =	simm.s32 @!p0 $0x1082;
	s9 =	sld [smem:$0x3FB5]  }
0x2f: {  	lr =	sadd.s32 s0, s3;
	s0 =	sld [smem:$0x3FAC]  }
0x30: {  	s3 =	sld [smem:$0x3FAF]  }
0x31: {  	[smem:$0x3FB8] =	sst s10  }
0x32: {  	s10 =	sld [smem:$0x3FB6];
	_ =	sdelay $0x3  }
0x33: {  	p0 =	seq.s32 s10, $0x1;
	s10 =	sld [smem:$0x3FB8];
	_ =	sdelay $0x3  }
0x34: {  	[smem:$0x3FB8] =	sst s10  }
0x35: {  	s10 =	sld [smem:$0x3FB7];
	_ =	sdelay $0x3  }
0x36: {  	p1 =	seq.s32 s10, $0x1;
	s10 =	sld [smem:$0x3FB8];
	_ =	sdelay $0x3  }
0x37: {  	[smem:$0x3FB8] =	sst s10  }
0x38: {  	s10 =	sld [smem:$0x3FB9]  }
0x39: {  	_ = 	snop;
	(pc) =	sbr.ind lr, $3  }
0x3a: {  	_ = 	snop  }
0x3b: {  	_ = 	snop  }
0x3c: {  	p2 =	seq.s32 s10, $0x1;
	s10 =	sld [smem:$0x3FB8]  }
0x3d: {  	_ =	shalt  }
0x3e: {  	_ =	shalt  }
0x3f: {  	_ =	shalt  }
0x40: {  	_ =	shalt  }
0x41: {  	_ =	shalt  }
0x42: {  	_ =	shalt  }
0x43: {  	_ =	shalt  }
0x44: {  	_ =	shalt  }
0x45: {  	_ =	shalt  }
0x46: {  	_ =	shalt  }
0x47: {  	_ =	shalt  }
0x48: {  	_ =	shalt  }
0x49: {  	_ =	shalt  }
0x4a: {  	_ =	shalt  }
0x4b: {  	_ =	shalt  }
0x4c: {  	_ =	shalt  }
0x4d: {  	_ =	shalt  }
0x4e: {  	_ =	shalt  }
0x4f: {  	_ =	shalt  }
0x50: {  	_ =	shalt  }
0x51: {  	_ =	shalt  }
0x52: {  	_ =	shalt  }
0x53: {  	_ =	shalt  }
0x54: {  	_ =	shalt  }
0x55: {  	_ =	shalt  }
0x56: {  	_ =	shalt  }
0x57: {  	_ =	shalt  }
0x58: {  	_ =	shalt  }
0x59: {  	_ =	shalt  }
0x5a: {  	_ =	shalt  }
0x5b: {  	_ =	shalt  }
0x5c: {  	_ =	shalt  }
0x5d: {  	_ =	shalt  }
0x5e: {  	_ =	shalt  }
0x5f: {  	_ =	shalt  }
0x60: {  	_ =	shalt  }
0x61: {  	_ =	shalt  }
0x62: {  	_ =	shalt  }
0x63: {  	_ =	shalt  }
0x64: {  	_ =	shalt  }
0x65: {  	_ =	shalt  }
0x66: {  	_ =	shalt  }
0x67: {  	_ =	shalt  }
0x68: {  	_ =	shalt  }
0x69: {  	_ =	shalt  }
0x6a: {  	_ =	shalt  }
0x6b: {  	_ =	shalt  }
0x6c: {  	_ =	shalt  }
0x6d: {  	_ =	shalt  }
0x6e: {  	_ =	shalt  }
0x6f: {  	_ =	shalt  }
0x70: {  	_ =	shalt  }
0x71: {  	_ =	shalt  }
0x72: {  	_ =	shalt  }
0x73: {  	_ =	shalt  }
0x74: {  	_ =	shalt  }
0x75: {  	_ =	shalt  }
0x76: {  	_ =	shalt  }
0x77: {  	_ =	shalt  }
0x78: {  	_ =	shalt  }
0x79: {  	_ =	shalt  }
0x7a: {  	_ =	shalt  }
0x7b: {  	_ =	shalt  }
0x7c: {  	_ =	shalt  }
0x7d: {  	_ =	shalt  }
0x7e: {  	_ =	shalt  }
0x7f: {  	_ =	shalt  }
0x80: {  	_ =	shalt  }
0x81: {  	_ =	shalt  }
0x82: {  	_ =	shalt  }
0x83: {  	_ =	shalt  }
0x84: {  	_ =	shalt  }
0x85: {  	_ =	shalt  }
0x86: {  	_ =	shalt  }
0x87: {  	_ =	shalt  }
.Lfunc_end0:
.L_simem_size_0:
called_computation.1_lowered:
.L_overlay_start_0:
0x88: {  	s2 =	sld [smem:$0x3FD9]  }
0x89: {  	s3 =	sld [smem:$0x3FFE];
	_ =	sdelay $0x1  }
0x8a: {  	s1 =	srdreg.scid  }
0x8b: {  	s0 =	sand.u32 $0x1, s1  }
0x8c: {  	s17 =	sshll.u32 s0, $0xA;
	s2 =	sadd.s32 s3, s2  }
0x8d: {  	s2 =	sadd.s32 s2, s17  }
0x8e: {  	[smem:$0x3FC4] =	sst s2  }
0x8f: {  	_ = 	snop  }
0x90: {  	s2 =	sld [smem:$0x3FD0];
	(tm) =	ssettm $0x1  }
0x91: {  	s18 =	sld [smem:$0x3FFB];
	_ =	sdelay $0x3  }
0x92: {  	_ =	strace s18  }
0x93: {  	s3 =	sld [smem:$0x3FFC];
	_ =	sdelay $0x3  }
0x94: {  	_ =	strace s3  }
0x95: {  	s3 =	sld [smem:$0x3FFD];
	_ =	sdelay $0x3  }
0x96: {  	_ =	strace s3  }
0x97: {  	_ =	strace $0x8FFFFFFF  }
0x98: {  	s19 =	sld [smem:$0x3FDB];
	_ =	sdelay $0x1  }
0x99: {  	s4 =	simm.s32 $_scs_section_size  }
0x9a: {  	s5 =	simm.s32 $_size__tile_overlayer_lowered;
	s6 =	simm.s32 $_tile_overlayer_lowered  }
0x9b: {  	s22 =	simm.s32 $0x1BFF;
	s21 =	sshll.u32 s6, $0x1;
	s3 =	sadd.s32 s4, s19  }
0x9c: {  	s7 =	simm.s32 $0x0;
	s20 =	sshll.u32 s5, $0x1;
	s5 =	sadd.s32 s21, s3  }
0x9d: {  	[timem:s7], [sflag:s22] =	dma.local [hbm:s5], s20  }
0x9e: {  	_ =	swait.ge [sflag:s22], s20  }
0x9f: {  	s4 =	ssub.s32 $0x0, s20;
	[sflag:s22] =	ssyncset.done $0x0  }
0xa0: {  	[sflag:s22] =	ssyncadd.s32 s4;
	_ =	sdelay $0x1  }
0xa1: {  	s23 =	simm.s32 $0x1B8B  }
0xa2: {  	_ =	swait.ge [sflag:s23], $0x1  }
0xa3: {  	[sflag:s23] =	ssyncset.done $0x0  }
0xa4: {  	s25 =	simm.s32 $0x1B8E;
	s24 =	sld [smem:$0x3FFE];
	[sflag:s23] =	ssyncadd.s32 $0xFFFFFFFF  }
0xa5: {  	s26 =	simm.s32 $execute0_lowered;
	[smem:$0x3FD2] =	sst s25  }
0xa6: {  	s5 =	sshll.u32 s26, $0x1;
	_ =	strace $0x80000049;
	[dreg:$0x1] =	wrdreg $0xFFFFFFFF  }
0xa7: {  	s28 =	simm.s32 $_size_execute0_lowered;
	s3 =	sadd.s32 s3, s5;
	[dreg:$0x0] =	wrdreg $0x0  }
0xa8: {  	s5 =	sshll.u32 s28, $0x1;
	[dreg:$0x2] =	wrdreg s3  }
0xa9: {  	[dreg:$0x3] =	wrdreg s5  }
0xaa: {  	[dreg:$0x4] =	wrdreg $0xC0  }
0xab: {  	_ =	task [dreg:s7], $0x5FFFF  }
0xac: {  	[dreg:$0x1] =	wrdreg $0xFFFFFFFF  }
0xad: {  	[dreg:$0x0] =	wrdreg $0x60  }
0xae: {  	[dreg:$0x2] =	wrdreg s24  }
0xaf: {  	[dreg:$0x3] =	wrdreg s2  }
0xb0: {  	[dreg:$0x4] =	wrdreg $0x9  }
0xb1: {  	_ =	task.clear_ibuf [dreg:s7], $0x5FFFF;
	_ =	strace $0x90000049  }
0xb2: {  	s29 =	simm.s32 $0x9;
	_ =	strace $0x8000004B  }
0xb3: {  	_ =	swait.ge [sflag:s29], $0x1  }
0xb4: {  	[sflag:s29] =	ssyncadd.s32 $0xFFFFFFFF  }
0xb5: {  	_ =	strace $0x9000004B  }
0xb6: {  	_ =	sfence  }
0xb7: {  	s30 =	sld [smem:$0x0];
	_ =	sdelay $0x2  }
0xb8: {  	s31 =	sshll.u32 s1, $0xD;
	s1 =	sshrl.u32 s1, $0x2  }
0xb9: {  	s3 =	sand.u32 $0x4000, s31;
	s1 =	sadd.s32 s1, s30  }
0xba: {  	s0 =	sor.u32 s3, s0;
	s1 =	sshll.u32 s1, $0x11  }
0xbb: {  	s0 =	sor.u32 s1, s0  }
0xbc: {  	s0 =	sadd.s32 $0x8F2B, s0  }
0xbd: {  	[sflag:s0] =	ssyncadd.remote.s32 $0x1  }
0xbe: {  	_ =	sfence.sel $0xFFFF  }
0xbf: {  	[dreg:$0x0] =	wrdreg $0xFFFFFFFF;
	(pc) =	sbr.abs _section_cstart, $3  }
0xc0: {  	[dreg:$0x1] =	wrdreg $0xFFFFFFFF  }
0xc1: {  	_ =	task.clear_ibuf [dreg:s7], $0x2FFFF;
	_ =	strace $0x9FFFFFFF  }
0xc2: {  	(tm) =	ssettm $0x7FFFFFFF  }
0xc3: {  	_ =	shalt  }
tec
execute0_lowered:
.L_overlay_start_1:
0x0: {  	(tag) =	ssettag $0x1  }
0x1: {  	s1 =	srdreg.scid  }
0x2: {  	s0 =	stileid.u32;
	s6 =	rddreg [dreg:$0x0]  }
0x3: {  	s4 =	rddreg [dreg:$0x1];
	s18 =	simm.s32 $0x880;
	s19 =	simm.s32 $0x1080  }
0x4: {  	s20 =	simm.s32 $0x1880;
	s22 =	simm.s32 $0x2080;
	s23 =	simm.s32 $0x2880  }
0x5: {  	s7 =	simm.s32 $0x3080;
	s24 =	simm.s32 $0x3880;
	s8 =	simm.s32 $0x4080  }
0x6: {  	s25 =	simm.s32 $0x4880;
	s26 =	simm.s32 $0x5080;
	s1 =	sand.u32 $0x1, s1  }
0x7: {  	s9 =	simm.s32 $0x80;
	s2 =	sshll.u32 s0, $0x7;
	s3 =	sshll.u32 s1, $0x6  }
0x8: {  	s11 =	simm.s32 $0x6080;
	s3 =	sor.u32 s3, s2;
	s2 =	simm.s32 $0x0  }
0x9: {  	s12 =	simm.s32 $0x6880;
	s13 =	simm.s32 $0x7080;
	[smem:$0x7FF] =	sst s2  }
0xa: {  	s14 =	simm.s32 $0x7880;
	_ =	strace $0x8000004A;
	[dreg:$0x5] =	wrdreg s18  }
0xb: {  	s15 =	simm.s32 $0x8080;
	s16 =	simm.s32 $0x8880;
	[dreg:$0x6] =	wrdreg s19  }
0xc: {  	s17 =	simm.s32 $0x9080;
	s28 =	simm.s32 $0xE080;
	[dreg:$0x7] =	wrdreg s20  }
0xd: {  	s29 =	simm.s32 $0xE880;
	s30 =	simm.s32 $0xF080;
	[dreg:$0x8] =	wrdreg s22  }
0xe: {  	s31 =	simm.s32 $0xF880;
	s1 =	ssub.s32 $0x2, s1;
	[dreg:$0x9] =	wrdreg s23  }
0xf: {  	s21 =	sshrl.u32 s1, $0x1;
	s5 =	sshrl.u32 s3, $0x3;
	[dreg:$0xa] =	wrdreg s7  }
0x10: {  	s3 =	sshll.u32 s3, $0x7;
	s1 =	ssub.s32 s1, s21;
	[dreg:$0xb] =	wrdreg s24  }
0x11: {  	s21 =	simm.s32 $0xB080;
	s5 =	sadd.s32 s5, s6;
	[dreg:$0xc] =	wrdreg s8  }
0x12: {  	s3 =	sadd.s32 s4, s3;
	s4 =	sadd.s32 $0x1700, s6;
	[dreg:$0xd] =	wrdreg s25  }
0x13: {  	s7 =	smax.u32 s1, $0x1;
	s8 =	simm.s32 $0x2;
	[dreg:$0xe] =	wrdreg s26  }
0x14: {  	s18 =	simm.s32 $0x9880;
	s19 =	simm.s32 $0xA080;
	s20 =	simm.s32 $0xA880  }
0x15: {  	s22 =	simm.s32 $0xB880;
	s23 =	simm.s32 $0xC080;
	s24 =	simm.s32 $0xC880  }
0x16: {  	v2 =	vlaneseq.u32;
	s25 =	simm.s32 $0xD080;
	s26 =	simm.s32 $0xD880;
	s1 =	simm.s32 $0x1  }
0x17: {  	vm0 =	vmmov $0xffff;
	v1 =	vshrl.u32 v2, $0x3;
	s5 =	sadd.s32 $0x1400, s5;
	[dreg:$0x4] =	wrdreg s3;
	s3 =	sadd.s32 $0x1600, s6  }
0x18: {  	v0 =	vand.u32 $0x7, v2;
	v2 =	vor.u32 $0x8, v2;
	v1 =	vmul.u32 $0x8, v1;
	[dreg:$0x3] =	wrdreg s5;
	s5 =	sadd.s32 $0x1800, s6;
	s6 =	sadd.s32 $0x1900, s6  }
.LBB2_1:
0x19: {  	s0 =	rddreg [dreg:$0x3]  }
0x1a: {  	[tilespmem:s2], [sflag:$0x2] =	stream.linear.gather [hbm4b:s0+s2], $0x40, $0x38;
	[tilespmem:$0x10080] =	vst v63  }
0x1b: {  	_ =	swait.ge [sflag:s8], $0x40  }
0x1c: {  	[sflag:s8] =	ssyncset.done $0x0  }
0x1d: {  	[sflag:s8] =	ssyncadd.s32 $0xFFFFFFC0  }
0x1e: {  	v3 =	vld [tilespmem:$0x0];
	_ =	sdelay $0x4  }
0x1f: {  	v4 =	vshll.u32 v3, $0x3  }
0x20: {  	v3 =	vand.u32 $0x7, v3;
	v4 =	vand.u32 $0xFFFFFFC0, v4  }
0x21: {  	v3 =	vor.u32 v3, v4  }
0x22: {  	v4 =	vperm.xlane v3, v0;
	_ =	sdelay $0x1  }
0x23: {  	v4 =	vadd.s32 v1, v4;
	_ =	sdelay $0x4  }
0x24: {  	[tilespmem:s9], [sflag:$0x1] =	stream.indirect_vreg.gather [hbm4b:s3+s2], $0x80, v4, vm0, $0xb8;
	[tilespmem:$0x10080] =	vst v63  }
0x25: {  	s0 =	rddreg [dreg:$0x5];
	v3 =	vperm.xlane v3, v2  }
0x26: {  	[tilespmem:s0], [sflag:$0x1] =	stream.indirect_vreg.gather [hbm4b:s4+s2], $0x80, v4, vm0, $0xb8;
	[tilespmem:$0x10080] =	vst v63  }
0x27: {  	s10 =	rddreg [dreg:$0x6];
	v3 =	vadd.s32 v1, v3  }
0x28: {  	[tilespmem:s10], [sflag:$0x1] =	stream.indirect_vreg.gather [hbm4b:s5+s2], $0x80, v4, vm0, $0xb8;
	[tilespmem:$0x10080] =	vst v63  }
0x29: {  	s0 =	rddreg [dreg:$0x7]  }
0x2a: {  	[tilespmem:s0], [sflag:$0x1] =	stream.indirect_vreg.gather [hbm4b:s6+s2], $0x80, v4, vm0, $0xb8;
	[tilespmem:$0x10080] =	vst v63  }
0x2b: {  	s10 =	rddreg [dreg:$0x8]  }
0x2c: {  	[tilespmem:s10], [sflag:$0x1] =	stream.indirect_vreg.gather [hbm4b:s3+s2], $0x80, v3, vm0, $0xb8;
	[tilespmem:$0x10080] =	vst v63  }
0x2d: {  	s0 =	rddreg [dreg:$0x9]  }
0x2e: {  	[tilespmem:s0], [sflag:$0x1] =	stream.indirect_vreg.gather [hbm4b:s4+s2], $0x80, v3, vm0, $0xb8;
	[tilespmem:$0x10080] =	vst v63  }
0x2f: {  	s10 =	rddreg [dreg:$0xa]  }
0x30: {  	[tilespmem:s10], [sflag:$0x1] =	stream.indirect_vreg.gather [hbm4b:s5+s2], $0x80, v3, vm0, $0xb8;
	[tilespmem:$0x10080] =	vst v63  }
0x31: {  	s0 =	rddreg [dreg:$0xb]  }
0x32: {  	[tilespmem:s0], [sflag:$0x1] =	stream.indirect_vreg.gather [hbm4b:s6+s2], $0x80, v3, vm0, $0xb8;
	[tilespmem:$0x10080] =	vst v63  }
0x33: {  	v3 =	vld [tilespmem:$0x10];
	_ =	sdelay $0x4  }
0x34: {  	v61 =	vshll.u32 v3, $0x3  }
0x35: {  	v3 =	vand.u32 $0x7, v3;
	v4 =	vand.u32 $0xFFFFFFC0, v61  }
0x36: {  	v3 =	vor.u32 v3, v4  }
0x37: {  	v4 =	vperm.xlane v3, v0;
	_ =	sdelay $0x1  }
0x38: {  	v4 =	vadd.s32 v1, v4;
	_ =	sdelay $0x3  }
0x39: {  	s0 =	rddreg [dreg:$0xc]  }
0x3a: {  	[tilespmem:s0], [sflag:$0x1] =	stream.indirect_vreg.gather [hbm4b:s3+s2], $0x80, v4, vm0, $0xb8;
	[tilespmem:$0x10080] =	vst v63  }
0x3b: {  	s10 =	rddreg [dreg:$0xd];
	v3 =	vperm.xlane v3, v2  }
0x3c: {  	[tilespmem:s10], [sflag:$0x1] =	stream.indirect_vreg.gather [hbm4b:s4+s2], $0x80, v4, vm0, $0xb8;
	[tilespmem:$0x10080] =	vst v63  }
0x3d: {  	v3 =	vadd.s32 v1, v3;
	s0 =	rddreg [dreg:$0xe]  }
0x3e: {  	[tilespmem:s0], [sflag:$0x1] =	stream.indirect_vreg.gather [hbm4b:s5+s2], $0x80, v4, vm0, $0xb8;
	[tilespmem:$0x10080] =	vst v63  }
0x3f: {  	s10 =	simm.s32 $0x5880  }
0x40: {  	[tilespmem:s10], [sflag:$0x1] =	stream.indirect_vreg.gather [hbm4b:s6+s2], $0x80, v4, vm0, $0xb8;
	[tilespmem:$0x10080] =	vst v63  }
0x41: {  	_ = 	snop  }
0x42: {  	[tilespmem:s11], [sflag:$0x1] =	stream.indirect_vreg.gather [hbm4b:s3+s2], $0x80, v3, vm0, $0xb8;
	[tilespmem:$0x10080] =	vst v63  }
0x43: {  	_ = 	snop  }
0x44: {  	[tilespmem:s12], [sflag:$0x1] =	stream.indirect_vreg.gather [hbm4b:s4+s2], $0x80, v3, vm0, $0xb8;
	[tilespmem:$0x10080] =	vst v63  }
0x45: {  	_ = 	snop  }
0x46: {  	[tilespmem:s13], [sflag:$0x1] =	stream.indirect_vreg.gather [hbm4b:s5+s2], $0x80, v3, vm0, $0xb8;
	[tilespmem:$0x10080] =	vst v63  }
0x47: {  	_ = 	snop  }
0x48: {  	[tilespmem:s14], [sflag:$0x1] =	stream.indirect_vreg.gather [hbm4b:s6+s2], $0x80, v3, vm0, $0xb8;
	[tilespmem:$0x10080] =	vst v63  }
0x49: {  	v3 =	vld [tilespmem:$0x20];
	_ =	sdelay $0x4  }
0x4a: {  	v62 =	vshll.u32 v3, $0x3  }
0x4b: {  	v3 =	vand.u32 $0x7, v3;
	v4 =	vand.u32 $0xFFFFFFC0, v62  }
0x4c: {  	v3 =	vor.u32 v3, v4  }
0x4d: {  	v4 =	vperm.xlane v3, v0;
	_ =	sdelay $0x1  }
0x4e: {  	v4 =	vadd.s32 v1, v4;
	_ =	sdelay $0x4  }
0x4f: {  	[tilespmem:s15], [sflag:$0x1] =	stream.indirect_vreg.gather [hbm4b:s3+s2], $0x80, v4, vm0, $0xb8;
	[tilespmem:$0x10080] =	vst v63  }
0x50: {  	v3 =	vperm.xlane v3, v2  }
0x51: {  	[tilespmem:s16], [sflag:$0x1] =	stream.indirect_vreg.gather [hbm4b:s4+s2], $0x80, v4, vm0, $0xb8;
	[tilespmem:$0x10080] =	vst v63  }
0x52: {  	v3 =	vadd.s32 v1, v3  }
0x53: {  	[tilespmem:s17], [sflag:$0x1] =	stream.indirect_vreg.gather [hbm4b:s5+s2], $0x80, v4, vm0, $0xb8;
	[tilespmem:$0x10080] =	vst v63  }
0x54: {  	_ = 	snop  }
0x55: {  	[tilespmem:s18], [sflag:$0x1] =	stream.indirect_vreg.gather [hbm4b:s6+s2], $0x80, v4, vm0, $0xb8;
	[tilespmem:$0x10080] =	vst v63  }
0x56: {  	_ = 	snop  }
0x57: {  	[tilespmem:s19], [sflag:$0x1] =	stream.indirect_vreg.gather [hbm4b:s3+s2], $0x80, v3, vm0, $0xb8;
	[tilespmem:$0x10080] =	vst v63  }
0x58: {  	_ = 	snop  }
0x59: {  	[tilespmem:s20], [sflag:$0x1] =	stream.indirect_vreg.gather [hbm4b:s4+s2], $0x80, v3, vm0, $0xb8;
	[tilespmem:$0x10080] =	vst v63  }
0x5a: {  	_ = 	snop  }
0x5b: {  	[tilespmem:s21], [sflag:$0x1] =	stream.indirect_vreg.gather [hbm4b:s5+s2], $0x80, v3, vm0, $0xb8;
	[tilespmem:$0x10080] =	vst v63  }
0x5c: {  	_ = 	snop  }
0x5d: {  	[tilespmem:s22], [sflag:$0x1] =	stream.indirect_vreg.gather [hbm4b:s6+s2], $0x80, v3, vm0, $0xb8;
	[tilespmem:$0x10080] =	vst v63  }
0x5e: {  	v3 =	vld [tilespmem:$0x30];
	_ =	sdelay $0x4  }
0x5f: {  	v63 =	vshll.u32 v3, $0x3  }
0x60: {  	v3 =	vand.u32 $0x7, v3;
	v4 =	vand.u32 $0xFFFFFFC0, v63  }
0x61: {  	v3 =	vor.u32 v3, v4  }
0x62: {  	v4 =	vperm.xlane v3, v0;
	_ =	sdelay $0x1  }
0x63: {  	v4 =	vadd.s32 v1, v4;
	_ =	sdelay $0x4  }
0x64: {  	[tilespmem:s23], [sflag:$0x1] =	stream.indirect_vreg.gather [hbm4b:s3+s2], $0x80, v4, vm0, $0xb8;
	[tilespmem:$0x10080] =	vst v63  }
0x65: {  	v3 =	vperm.xlane v3, v2  }
0x66: {  	[tilespmem:s24], [sflag:$0x1] =	stream.indirect_vreg.gather [hbm4b:s4+s2], $0x80, v4, vm0, $0xb8;
	[tilespmem:$0x10080] =	vst v63  }
0x67: {  	v3 =	vadd.s32 v1, v3  }
0x68: {  	[tilespmem:s25], [sflag:$0x1] =	stream.indirect_vreg.gather [hbm4b:s5+s2], $0x80, v4, vm0, $0xb8;
	[tilespmem:$0x10080] =	vst v63  }
0x69: {  	_ = 	snop  }
0x6a: {  	[tilespmem:s26], [sflag:$0x1] =	stream.indirect_vreg.gather [hbm4b:s6+s2], $0x80, v4, vm0, $0xb8;
	[tilespmem:$0x10080] =	vst v63  }
0x6b: {  	_ = 	snop  }
0x6c: {  	[tilespmem:s28], [sflag:$0x1] =	stream.indirect_vreg.gather [hbm4b:s3+s2], $0x80, v3, vm0, $0xb8;
	[tilespmem:$0x10080] =	vst v63  }
0x6d: {  	_ = 	snop  }
0x6e: {  	[tilespmem:s29], [sflag:$0x1] =	stream.indirect_vreg.gather [hbm4b:s4+s2], $0x80, v3, vm0, $0xb8;
	[tilespmem:$0x10080] =	vst v63  }
0x6f: {  	_ = 	snop  }
0x70: {  	[tilespmem:s30], [sflag:$0x1] =	stream.indirect_vreg.gather [hbm4b:s5+s2], $0x80, v3, vm0, $0xb8;
	[tilespmem:$0x10080] =	vst v63  }
0x71: {  	_ = 	snop  }
0x72: {  	[tilespmem:s31], [sflag:$0x1] =	stream.indirect_vreg.gather [hbm4b:s6+s2], $0x80, v3, vm0, $0xb8;
	[tilespmem:$0x10080] =	vst v63  }
0x73: {  	_ =	swait.ge [sflag:s1], $0x10000  }
0x74: {  	p0 =	sne.s32 s7, $0x1;
	[sflag:s1] =	ssyncset.done $0x0  }
.Ltmp0:
0x75: {  	s10 =	rddreg [dreg:$0x4];
	[sflag:s1] =	ssyncadd.s32 $0xFFFF0000;
	(pc) =	sbr.rel @p0 .LBB2_1-.Ltmp0, $4  }
0x76: {  	[hbm4b:s10+s2] =	stream.linear.scatter [tilespmem:s9], [sflag:$0x2], $0x10000, $0x38;
	[tilespmem:$0x10080] =	vst v63  }
0x77: {  	_ =	swait.ge [sflag:s8], $0x10000  }
0x78: {  	[sflag:s8] =	ssyncset.done $0x0  }
0x79: {  	s7 =	sadd.s32 $0xFFFFFFFF, s7;
	[sflag:s8] =	ssyncadd.s32 $0xFFFF0000  }
0x7a: {  	_ =	sfence.sel $0x180000  }
0x7b: {  	[bflag:$0x0] =	sbarrier.arrive $0xFFFF  }
0x7c: {  	_ =	strace $0x9000004A  }
0x7d: {  	s0 =	stileid.u32;
	[bflag:$0x2] =	sbarrier.arrive $0xFFFF  }
0x7e: {  	p0 =	sne.s32 s0, $0x0;
	s0 =	rddreg [dreg:$0x2]  }
0x7f: {  	s0 =	sadd.s32 @!p0 $0x100000, s0  }
0x80: {  	[sflag:s0] =	ssyncadd.tile.s32 @!p0 $0x1;
	_ =	shalt  }
.Lfunc_end2:
_tile_overlayer_lowered:
.L_overlay_start_2:
0x81: {  	(tag) =	ssettag $0x2  }
0x82: {  	s0 =	rddreg [dreg:$0x0];
	s2 =	stileid.u32  }
0x83: {  	s1 =	rddreg [dreg:$0x1];
	p0 =	sne.s32 s2, $0x0  }
0x84: {  	s3 =	rddreg [dreg:$0x2];
	[bflag:$0x3] =	sbarrier.arrive $0xFFFF;
	s2 =	simm.s32 @!p0 $0x1C02  }
0x85: {  	[timem:s3], [sflag:s2] =	dma.local @!p0 [hbm:s0], s1  }
0x86: {  	s0 =	simm.s32 @!p0 $0x2  }
0x87: {  	_ =	swait.ge @!p0 [sflag:s0], s1  }
0x88: {  	s1 =	ssub.s32 @!p0 $0x0, s1;
	[sflag:s0] =	ssyncset.done @!p0 $0x0  }
0x89: {  	[sflag:s0] =	ssyncadd.s32 @!p0 s1  }
0x8a: {  	[bflag:$0x3] =	sbarrier.arrive $0xFFFF  }
0x8b: {  	_ =	shalt  }

</sc_bundles>
